<compile_context>
chip_gen: v7x
topology: tpu7x:2x2x1
jax: 0.10.2.dev20260603
libtpu: 0.0.44.dev20260713+nightly
codegen_flags: <defaults>
</compile_context>

<pallas_src>
import functools

import jax
import jax.numpy as jnp
from jax import lax
from jax.experimental import pallas as pl
from jax.experimental.pallas import tpu as pltpu
from jax.experimental.pallas import tpu_sc as plsc

_VOCAB = 100000
_D = 128
_BATCH = 1024
_SEQ = 200
_B = _BATCH * _SEQ

_NC = 2
_NS = 16
_NW = _NC * _NS
_RPW = _BATCH // _NW
_BPW = _RPW * _SEQ
_SZ = (128, 72)
_OFF = (0, 128)
_NCHUNK = 2 * _RPW

_NBUF = 8
_PRE = 4

_mesh = plsc.VectorSubcoreMesh(core_axis_name="c", subcore_axis_name="s")


@functools.partial(
    pl.kernel,
    mesh=_mesh,
    out_type=jax.ShapeDtypeStruct((_B, _D), jnp.float32),
    scratch_types=(
        [pltpu.VMEM((_RPW, _SZ[0]), jnp.int32),
         pltpu.VMEM((_RPW, _SZ[1]), jnp.int32)]
        + [pltpu.VMEM((_SZ[b % 2], _D), jnp.float32) for b in range(_NBUF)]
        + [pltpu.SemaphoreType.DMA] * (2 * _NBUF)
    ),
)
def _sc_gather(table_hbm, idx_hbm, out_hbm, idx_a, idx_b, *bufs):
    rows = bufs[:_NBUF]
    gsem = bufs[_NBUF:2 * _NBUF]
    wsem = bufs[2 * _NBUF:]

    wid = lax.axis_index("s") * _NC + lax.axis_index("c")
    base = wid * _BPW
    pltpu.sync_copy(
        idx_hbm.at[pl.ds(wid * _RPW, _RPW), pl.ds(0, _SZ[0])], idx_a)
    pltpu.sync_copy(
        idx_hbm.at[pl.ds(wid * _RPW, _RPW), pl.ds(_OFF[1], _SZ[1])], idx_b)
    idx_v = (idx_a, idx_b)

    def g_copy(r, p, b):
        idx_list = idx_v[p].at[r]
        return pltpu.make_async_copy(table_hbm.at[idx_list], rows[b], gsem[b])

    def w_copy(r, p, b):
        dst = out_hbm.at[pl.ds(base + r * _SEQ + _OFF[p], _SZ[p])]
        return pltpu.make_async_copy(rows[b], dst, wsem[b])

    def stage(r, p, b):
        nb = (b + _PRE) % _NBUF
        g_copy(r, p, b).wait()
        w_copy(r, p, b).start()
        w_copy(r + (_PRE - _NBUF) // 2, p, nb).wait()
        g_copy(r + _PRE // 2, p, nb).start()

    lo = _NBUF - _PRE
    for c in range(_PRE):
        g_copy(c // 2, c % 2, c % _NBUF).start()
    for c in range(lo):
        b = c % _NBUF
        g_copy(c // 2, c % 2, b).wait()
        w_copy(c // 2, c % 2, b).start()
        g_copy((c + _PRE) // 2, c % 2, (c + _PRE) % _NBUF).start()

    hi = _NCHUNK - _PRE
    k = (hi - lo) // _NBUF

    def step(o, carry):
        r0 = (lo + o * _NBUF) // 2
        for cc in range(_NBUF):
            stage(r0 + (lo + cc) // 2 - lo // 2, cc % 2, (lo + cc) % _NBUF)
        return carry

    lax.fori_loop(0, k, step, 0)

    for c in range(lo + k * _NBUF, hi):
        stage(c // 2, c % 2, c % _NBUF)
    for c in range(hi, _NCHUNK):
        b = c % _NBUF
        g_copy(c // 2, c % 2, b).wait()
        w_copy(c // 2, c % 2, b).start()
    for c in range(_NCHUNK - _NBUF, _NCHUNK):
        w_copy(c // 2, c % 2, c % _NBUF).wait()


def kernel(indices, table):
    out = _sc_gather(table, indices)
    return out.reshape(_BATCH, _SEQ, _D)

# --- scband reference (transcript-rebuilt; emitter-appended) ---
"""Pipeline reference for scband-embed-glove-29815662969366 (READ-ONLY COPY).

The authoritative reference and input builder live on the scoring server;
editing this copy changes nothing except your own understanding.
"""

import jax, jax.numpy as jnp
import numpy as np

VOCAB = 100000
EMBED_DIM = 128
BATCH = 1024
SEQ = 200


def setup_inputs(seed: int = 0) -> dict:
    key = jax.random.key(seed)
    k_idx, k_tab = jax.random.split(key)
    indices = jax.random.randint(k_idx, (BATCH, SEQ), 0, VOCAB, dtype=jnp.int32)
    # GloVe-style pretrained vector table, materialized as a learned parameter
    table = jax.random.normal(k_tab, (VOCAB, EMBED_DIM), dtype=jnp.float32)
    return {"indices": indices, "table": table}


def reference(indices, table):
    # Faithful reinterpretation of EmbedGlove.forward: for each token id in the
    # sentence, gather its embedding row from the vocabulary vector table.
    # embeds = [self.vcb.vectors[i] for i in inp]  ->  row gather
    embeds = jnp.take(table, indices, axis=0)  # [BATCH, SEQ, EMBED_DIM]
    return embeds

if __name__ == "__main__":
    import jax
    _d = setup_inputs()
    print(jax.jit(kernel)(*tuple(_d.values())))

</pallas_src>

<mosaic_0001>
#map = affine_map<(d0, d1) -> (0, 0)>
module attributes {stable_mosaic.version = 14 : i64} {
  func.func @_sc_gather(%arg0: i32, %arg1: i32, %arg2: memref<100000x128xf32, #tpu.memory_space<hbm>>, %arg3: memref<1024x200xi32, #tpu.memory_space<hbm>>, %arg4: memref<204800x128xf32, #tpu.memory_space<hbm>>, %arg5: memref<32x128xi32, #tpu.memory_space<vmem>>, %arg6: memref<32x72xi32, #tpu.memory_space<vmem>>, %arg7: memref<128x128xf32, #tpu.memory_space<vmem>>, %arg8: memref<72x128xf32, #tpu.memory_space<vmem>>, %arg9: memref<128x128xf32, #tpu.memory_space<vmem>>, %arg10: memref<72x128xf32, #tpu.memory_space<vmem>>, %arg11: memref<128x128xf32, #tpu.memory_space<vmem>>, %arg12: memref<72x128xf32, #tpu.memory_space<vmem>>, %arg13: memref<128x128xf32, #tpu.memory_space<vmem>>, %arg14: memref<72x128xf32, #tpu.memory_space<vmem>>, %arg15: memref<!tpu.dma_semaphore, #tpu.memory_space<semaphore_mem>>, %arg16: memref<!tpu.dma_semaphore, #tpu.memory_space<semaphore_mem>>, %arg17: memref<!tpu.dma_semaphore, #tpu.memory_space<semaphore_mem>>, %arg18: memref<!tpu.dma_semaphore, #tpu.memory_space<semaphore_mem>>, %arg19: memref<!tpu.dma_semaphore, #tpu.memory_space<semaphore_mem>>, %arg20: memref<!tpu.dma_semaphore, #tpu.memory_space<semaphore_mem>>, %arg21: memref<!tpu.dma_semaphore, #tpu.memory_space<semaphore_mem>>, %arg22: memref<!tpu.dma_semaphore, #tpu.memory_space<semaphore_mem>>, %arg23: memref<!tpu.dma_semaphore, #tpu.memory_space<semaphore_mem>>, %arg24: memref<!tpu.dma_semaphore, #tpu.memory_space<semaphore_mem>>, %arg25: memref<!tpu.dma_semaphore, #tpu.memory_space<semaphore_mem>>, %arg26: memref<!tpu.dma_semaphore, #tpu.memory_space<semaphore_mem>>, %arg27: memref<!tpu.dma_semaphore, #tpu.memory_space<semaphore_mem>>, %arg28: memref<!tpu.dma_semaphore, #tpu.memory_space<semaphore_mem>>, %arg29: memref<!tpu.dma_semaphore, #tpu.memory_space<semaphore_mem>>, %arg30: memref<!tpu.dma_semaphore, #tpu.memory_space<semaphore_mem>>) attributes {dimension_semantics = [#tpu.dimension_semantics<core_parallel>, #tpu.dimension_semantics<subcore_parallel>], iteration_bounds = array<i64: 2, 16>, scalar_prefetch = 0 : i64, scratch_operands = 26 : i64, tpu.core_type = #tpu.core_type<sc_vector_subcore>, window_params = [{transform_indices = #map}, {transform_indices = #map}, {transform_indices = #map}]} {
    %mul3A = arith.constant 2 : i32
    %mul3A_0 = arith.muli %arg1, %mul3A : i32
    %add3A = arith.addi %mul3A_0, %arg0 : i32
    %mul3A_1 = arith.constant 6400 : i32
    %mul3A_2 = arith.muli %add3A, %mul3A_1 : i32
    %mul3A_3 = arith.constant 32 : i32
    %mul3A_4 = arith.muli %add3A, %mul3A_3 : i32
    "tpu.region"() ({
      %run_scoped3A = tpu.sem_alloc : memref<!tpu.dma_semaphore, #tpu.memory_space<semaphore_mem>>
      %dma_start3A_250 = arith.constant 0 : i32
      %dma_start3A_251 = tpu.memref_slice %arg3[%mul3A_4, %dma_start3A_250] : memref<1024x200xi32, #tpu.memory_space<hbm>> -> memref<32x128xi32, #tpu.memory_space<hbm>>
      %dma_start3A_252 = arith.constant 0 : i32
      %dma_start3A_253 = tpu.memref_slice %arg3[%mul3A_4, %dma_start3A_252] : memref<1024x200xi32, #tpu.memory_space<hbm>> -> memref<32x128xi32, #tpu.memory_space<hbm>>
      tpu.enqueue_dma source(%dma_start3A_253 : memref<32x128xi32, #tpu.memory_space<hbm>>) target(%arg5 : memref<32x128xi32, #tpu.memory_space<vmem>>) target_semaphore(%run_scoped3A : memref<!tpu.dma_semaphore, #tpu.memory_space<semaphore_mem>>)
      %dma_wait3A_254 = arith.constant 0 : i32
      %dma_wait3A_255 = tpu.memref_slice %arg3[%mul3A_4, %dma_wait3A_254] : memref<1024x200xi32, #tpu.memory_space<hbm>> -> memref<32x128xi32, #tpu.memory_space<hbm>>
      %dma_wait3A_256 = arith.constant 0 : i32
      %dma_wait3A_257 = tpu.memref_slice %arg3[%mul3A_4, %dma_wait3A_256] : memref<1024x200xi32, #tpu.memory_space<hbm>> -> memref<32x128xi32, #tpu.memory_space<hbm>>
      tpu.wait_dma2 semaphore(%run_scoped3A : memref<!tpu.dma_semaphore, #tpu.memory_space<semaphore_mem>>) src(%dma_wait3A_257 : memref<32x128xi32, #tpu.memory_space<hbm>>) dst(%arg5 : memref<32x128xi32, #tpu.memory_space<vmem>>)
      tpu.yield
    }) : () -> ()
    %mul3A_5 = arith.constant 32 : i32
    %mul3A_6 = arith.muli %add3A, %mul3A_5 : i32
    "tpu.region"() ({
      %run_scoped3A = tpu.sem_alloc : memref<!tpu.dma_semaphore, #tpu.memory_space<semaphore_mem>>
      %dma_start3A_250 = arith.constant 128 : i32
      %dma_start3A_251 = tpu.memref_slice %arg3[%mul3A_6, %dma_start3A_250] : memref<1024x200xi32, #tpu.memory_space<hbm>> -> memref<32x72xi32, #tpu.memory_space<hbm>>
      %dma_start3A_252 = arith.constant 128 : i32
      %dma_start3A_253 = tpu.memref_slice %arg3[%mul3A_6, %dma_start3A_252] : memref<1024x200xi32, #tpu.memory_space<hbm>> -> memref<32x72xi32, #tpu.memory_space<hbm>>
      tpu.enqueue_dma source(%dma_start3A_253 : memref<32x72xi32, #tpu.memory_space<hbm>>) target(%arg6 : memref<32x72xi32, #tpu.memory_space<vmem>>) target_semaphore(%run_scoped3A : memref<!tpu.dma_semaphore, #tpu.memory_space<semaphore_mem>>)
      %dma_wait3A_254 = arith.constant 128 : i32
      %dma_wait3A_255 = tpu.memref_slice %arg3[%mul3A_6, %dma_wait3A_254] : memref<1024x200xi32, #tpu.memory_space<hbm>> -> memref<32x72xi32, #tpu.memory_space<hbm>>
      %dma_wait3A_256 = arith.constant 128 : i32
      %dma_wait3A_257 = tpu.memref_slice %arg3[%mul3A_6, %dma_wait3A_256] : memref<1024x200xi32, #tpu.memory_space<hbm>> -> memref<32x72xi32, #tpu.memory_space<hbm>>
      tpu.wait_dma2 semaphore(%run_scoped3A : memref<!tpu.dma_semaphore, #tpu.memory_space<semaphore_mem>>) src(%dma_wait3A_257 : memref<32x72xi32, #tpu.memory_space<hbm>>) dst(%arg6 : memref<32x72xi32, #tpu.memory_space<vmem>>)
      tpu.yield
    }) : () -> ()
    %dma_start3A = arith.constant 0 : i32
    %dma_start3A_7 = arith.constant 0 : i32
    %dma_start3A_8 = tpu.memref_slice %arg5[%dma_start3A, %dma_start3A_7] : memref<32x128xi32, #tpu.memory_space<vmem>> -> memref<1x128xi32, #tpu.memory_space<vmem>>
    %dma_start3A_9 = tpu.memref_squeeze %dma_start3A_8 : memref<1x128xi32, #tpu.memory_space<vmem>> -> memref<128xi32, #tpu.memory_space<vmem>>
    %dma_start3A_10 = arith.constant 0 : i32
    %dma_start3A_11 = arith.constant 0 : i32
    %dma_start3A_12 = tpu.memref_slice %arg2[%dma_start3A_10, %dma_start3A_11] : memref<100000x128xf32, #tpu.memory_space<hbm>> -> memref<100000x128xf32, #tpu.memory_space<hbm>>
    tpu.enqueue_indirect_dma source(%dma_start3A_12 : memref<100000x128xf32, #tpu.memory_space<hbm>>) target(%arg7 : memref<128x128xf32, #tpu.memory_space<vmem>>) offsets(%dma_start3A_9 : memref<128xi32, #tpu.memory_space<vmem>>) semaphore(%arg15 : memref<!tpu.dma_semaphore, #tpu.memory_space<semaphore_mem>>)
    %dma_start3A_13 = arith.constant 0 : i32
    %dma_start3A_14 = arith.constant 0 : i32
    %dma_start3A_15 = tpu.memref_slice %arg6[%dma_start3A_13, %dma_start3A_14] : memref<32x72xi32, #tpu.memory_space<vmem>> -> memref<1x72xi32, #tpu.memory_space<vmem>>
    %dma_start3A_16 = tpu.memref_squeeze %dma_start3A_15 : memref<1x72xi32, #tpu.memory_space<vmem>> -> memref<72xi32, #tpu.memory_space<vmem>>
    %dma_start3A_17 = arith.constant 0 : i32
    %dma_start3A_18 = arith.constant 0 : i32
    %dma_start3A_19 = tpu.memref_slice %arg2[%dma_start3A_17, %dma_start3A_18] : memref<100000x128xf32, #tpu.memory_space<hbm>> -> memref<100000x128xf32, #tpu.memory_space<hbm>>
    tpu.enqueue_indirect_dma source(%dma_start3A_19 : memref<100000x128xf32, #tpu.memory_space<hbm>>) target(%arg8 : memref<72x128xf32, #tpu.memory_space<vmem>>) offsets(%dma_start3A_16 : memref<72xi32, #tpu.memory_space<vmem>>) semaphore(%arg16 : memref<!tpu.dma_semaphore, #tpu.memory_space<semaphore_mem>>)
    %dma_start3A_20 = arith.constant 1 : i32
    %dma_start3A_21 = arith.constant 0 : i32
    %dma_start3A_22 = tpu.memref_slice %arg5[%dma_start3A_20, %dma_start3A_21] : memref<32x128xi32, #tpu.memory_space<vmem>> -> memref<1x128xi32, #tpu.memory_space<vmem>>
    %dma_start3A_23 = tpu.memref_squeeze %dma_start3A_22 : memref<1x128xi32, #tpu.memory_space<vmem>> -> memref<128xi32, #tpu.memory_space<vmem>>
    %dma_start3A_24 = arith.constant 0 : i32
    %dma_start3A_25 = arith.constant 0 : i32
    %dma_start3A_26 = tpu.memref_slice %arg2[%dma_start3A_24, %dma_start3A_25] : memref<100000x128xf32, #tpu.memory_space<hbm>> -> memref<100000x128xf32, #tpu.memory_space<hbm>>
    tpu.enqueue_indirect_dma source(%dma_start3A_26 : memref<100000x128xf32, #tpu.memory_space<hbm>>) target(%arg9 : memref<128x128xf32, #tpu.memory_space<vmem>>) offsets(%dma_start3A_23 : memref<128xi32, #tpu.memory_space<vmem>>) semaphore(%arg17 : memref<!tpu.dma_semaphore, #tpu.memory_space<semaphore_mem>>)
    %dma_start3A_27 = arith.constant 1 : i32
    %dma_start3A_28 = arith.constant 0 : i32
    %dma_start3A_29 = tpu.memref_slice %arg6[%dma_start3A_27, %dma_start3A_28] : memref<32x72xi32, #tpu.memory_space<vmem>> -> memref<1x72xi32, #tpu.memory_space<vmem>>
    %dma_start3A_30 = tpu.memref_squeeze %dma_start3A_29 : memref<1x72xi32, #tpu.memory_space<vmem>> -> memref<72xi32, #tpu.memory_space<vmem>>
    %dma_start3A_31 = arith.constant 0 : i32
    %dma_start3A_32 = arith.constant 0 : i32
    %dma_start3A_33 = tpu.memref_slice %arg2[%dma_start3A_31, %dma_start3A_32] : memref<100000x128xf32, #tpu.memory_space<hbm>> -> memref<100000x128xf32, #tpu.memory_space<hbm>>
    tpu.enqueue_indirect_dma source(%dma_start3A_33 : memref<100000x128xf32, #tpu.memory_space<hbm>>) target(%arg10 : memref<72x128xf32, #tpu.memory_space<vmem>>) offsets(%dma_start3A_30 : memref<72xi32, #tpu.memory_space<vmem>>) semaphore(%arg18 : memref<!tpu.dma_semaphore, #tpu.memory_space<semaphore_mem>>)
    %dma_wait3A = arith.constant 0 : i32
    %dma_wait3A_34 = arith.constant 0 : i32
    %dma_wait3A_35 = tpu.memref_slice %arg5[%dma_wait3A, %dma_wait3A_34] : memref<32x128xi32, #tpu.memory_space<vmem>> -> memref<1x128xi32, #tpu.memory_space<vmem>>
    %dma_wait3A_36 = tpu.memref_squeeze %dma_wait3A_35 : memref<1x128xi32, #tpu.memory_space<vmem>> -> memref<128xi32, #tpu.memory_space<vmem>>
    %dma_wait3A_37 = arith.constant 0 : i32
    %dma_wait3A_38 = arith.constant 0 : i32
    %dma_wait3A_39 = tpu.memref_slice %arg2[%dma_wait3A_37, %dma_wait3A_38] : memref<100000x128xf32, #tpu.memory_space<hbm>> -> memref<100000x128xf32, #tpu.memory_space<hbm>>
    tpu.wait_indirect_dma semaphore(%arg15 : memref<!tpu.dma_semaphore, #tpu.memory_space<semaphore_mem>>) src(%dma_wait3A_39 : memref<100000x128xf32, #tpu.memory_space<hbm>>) dst(%arg7 : memref<128x128xf32, #tpu.memory_space<vmem>>)
    %add3A_40 = arith.constant 0 : i32
    %add3A_41 = arith.addi %mul3A_2, %add3A_40 : i32
    %add3A_42 = arith.constant 0 : i32
    %add3A_43 = arith.addi %add3A_41, %add3A_42 : i32
    %dma_start3A_44 = arith.constant 0 : i32
    %dma_start3A_45 = tpu.memref_slice %arg4[%add3A_43, %dma_start3A_44] : memref<204800x128xf32, #tpu.memory_space<hbm>> -> memref<128x128xf32, #tpu.memory_space<hbm>>
    %dma_start3A_46 = arith.constant 0 : i32
    %dma_start3A_47 = tpu.memref_slice %arg4[%add3A_43, %dma_start3A_46] : memref<204800x128xf32, #tpu.memory_space<hbm>> -> memref<128x128xf32, #tpu.memory_space<hbm>>
    tpu.enqueue_dma source(%arg7 : memref<128x128xf32, #tpu.memory_space<vmem>>) target(%dma_start3A_47 : memref<128x128xf32, #tpu.memory_space<hbm>>) target_semaphore(%arg23 : memref<!tpu.dma_semaphore, #tpu.memory_space<semaphore_mem>>)
    %dma_start3A_48 = arith.constant 2 : i32
    %dma_start3A_49 = arith.constant 0 : i32
    %dma_start3A_50 = tpu.memref_slice %arg5[%dma_start3A_48, %dma_start3A_49] : memref<32x128xi32, #tpu.memory_space<vmem>> -> memref<1x128xi32, #tpu.memory_space<vmem>>
    %dma_start3A_51 = tpu.memref_squeeze %dma_start3A_50 : memref<1x128xi32, #tpu.memory_space<vmem>> -> memref<128xi32, #tpu.memory_space<vmem>>
    %dma_start3A_52 = arith.constant 0 : i32
    %dma_start3A_53 = arith.constant 0 : i32
    %dma_start3A_54 = tpu.memref_slice %arg2[%dma_start3A_52, %dma_start3A_53] : memref<100000x128xf32, #tpu.memory_space<hbm>> -> memref<100000x128xf32, #tpu.memory_space<hbm>>
    tpu.enqueue_indirect_dma source(%dma_start3A_54 : memref<100000x128xf32, #tpu.memory_space<hbm>>) target(%arg11 : memref<128x128xf32, #tpu.memory_space<vmem>>) offsets(%dma_start3A_51 : memref<128xi32, #tpu.memory_space<vmem>>) semaphore(%arg19 : memref<!tpu.dma_semaphore, #tpu.memory_space<semaphore_mem>>)
    %dma_wait3A_55 = arith.constant 0 : i32
    %dma_wait3A_56 = arith.constant 0 : i32
    %dma_wait3A_57 = tpu.memref_slice %arg6[%dma_wait3A_55, %dma_wait3A_56] : memref<32x72xi32, #tpu.memory_space<vmem>> -> memref<1x72xi32, #tpu.memory_space<vmem>>
    %dma_wait3A_58 = tpu.memref_squeeze %dma_wait3A_57 : memref<1x72xi32, #tpu.memory_space<vmem>> -> memref<72xi32, #tpu.memory_space<vmem>>
    %dma_wait3A_59 = arith.constant 0 : i32
    %dma_wait3A_60 = arith.constant 0 : i32
    %dma_wait3A_61 = tpu.memref_slice %arg2[%dma_wait3A_59, %dma_wait3A_60] : memref<100000x128xf32, #tpu.memory_space<hbm>> -> memref<100000x128xf32, #tpu.memory_space<hbm>>
    tpu.wait_indirect_dma semaphore(%arg16 : memref<!tpu.dma_semaphore, #tpu.memory_space<semaphore_mem>>) src(%dma_wait3A_61 : memref<100000x128xf32, #tpu.memory_space<hbm>>) dst(%arg8 : memref<72x128xf32, #tpu.memory_space<vmem>>)
    %add3A_62 = arith.constant 0 : i32
    %add3A_63 = arith.addi %mul3A_2, %add3A_62 : i32
    %add3A_64 = arith.constant 128 : i32
    %add3A_65 = arith.addi %add3A_63, %add3A_64 : i32
    %dma_start3A_66 = arith.constant 0 : i32
    %dma_start3A_67 = tpu.memref_slice %arg4[%add3A_65, %dma_start3A_66] : memref<204800x128xf32, #tpu.memory_space<hbm>> -> memref<72x128xf32, #tpu.memory_space<hbm>>
    %dma_start3A_68 = arith.constant 0 : i32
    %dma_start3A_69 = tpu.memref_slice %arg4[%add3A_65, %dma_start3A_68] : memref<204800x128xf32, #tpu.memory_space<hbm>> -> memref<72x128xf32, #tpu.memory_space<hbm>>
    tpu.enqueue_dma source(%arg8 : memref<72x128xf32, #tpu.memory_space<vmem>>) target(%dma_start3A_69 : memref<72x128xf32, #tpu.memory_space<hbm>>) target_semaphore(%arg24 : memref<!tpu.dma_semaphore, #tpu.memory_space<semaphore_mem>>)
    %dma_start3A_70 = arith.constant 2 : i32
    %dma_start3A_71 = arith.constant 0 : i32
    %dma_start3A_72 = tpu.memref_slice %arg6[%dma_start3A_70, %dma_start3A_71] : memref<32x72xi32, #tpu.memory_space<vmem>> -> memref<1x72xi32, #tpu.memory_space<vmem>>
    %dma_start3A_73 = tpu.memref_squeeze %dma_start3A_72 : memref<1x72xi32, #tpu.memory_space<vmem>> -> memref<72xi32, #tpu.memory_space<vmem>>
    %dma_start3A_74 = arith.constant 0 : i32
    %dma_start3A_75 = arith.constant 0 : i32
    %dma_start3A_76 = tpu.memref_slice %arg2[%dma_start3A_74, %dma_start3A_75] : memref<100000x128xf32, #tpu.memory_space<hbm>> -> memref<100000x128xf32, #tpu.memory_space<hbm>>
    tpu.enqueue_indirect_dma source(%dma_start3A_76 : memref<100000x128xf32, #tpu.memory_space<hbm>>) target(%arg12 : memref<72x128xf32, #tpu.memory_space<vmem>>) offsets(%dma_start3A_73 : memref<72xi32, #tpu.memory_space<vmem>>) semaphore(%arg20 : memref<!tpu.dma_semaphore, #tpu.memory_space<semaphore_mem>>)
    %dma_wait3A_77 = arith.constant 1 : i32
    %dma_wait3A_78 = arith.constant 0 : i32
    %dma_wait3A_79 = tpu.memref_slice %arg5[%dma_wait3A_77, %dma_wait3A_78] : memref<32x128xi32, #tpu.memory_space<vmem>> -> memref<1x128xi32, #tpu.memory_space<vmem>>
    %dma_wait3A_80 = tpu.memref_squeeze %dma_wait3A_79 : memref<1x128xi32, #tpu.memory_space<vmem>> -> memref<128xi32, #tpu.memory_space<vmem>>
    %dma_wait3A_81 = arith.constant 0 : i32
    %dma_wait3A_82 = arith.constant 0 : i32
    %dma_wait3A_83 = tpu.memref_slice %arg2[%dma_wait3A_81, %dma_wait3A_82] : memref<100000x128xf32, #tpu.memory_space<hbm>> -> memref<100000x128xf32, #tpu.memory_space<hbm>>
    tpu.wait_indirect_dma semaphore(%arg17 : memref<!tpu.dma_semaphore, #tpu.memory_space<semaphore_mem>>) src(%dma_wait3A_83 : memref<100000x128xf32, #tpu.memory_space<hbm>>) dst(%arg9 : memref<128x128xf32, #tpu.memory_space<vmem>>)
    %add3A_84 = arith.constant 200 : i32
    %add3A_85 = arith.addi %mul3A_2, %add3A_84 : i32
    %add3A_86 = arith.constant 0 : i32
    %add3A_87 = arith.addi %add3A_85, %add3A_86 : i32
    %dma_start3A_88 = arith.constant 0 : i32
    %dma_start3A_89 = tpu.memref_slice %arg4[%add3A_87, %dma_start3A_88] : memref<204800x128xf32, #tpu.memory_space<hbm>> -> memref<128x128xf32, #tpu.memory_space<hbm>>
    %dma_start3A_90 = arith.constant 0 : i32
    %dma_start3A_91 = tpu.memref_slice %arg4[%add3A_87, %dma_start3A_90] : memref<204800x128xf32, #tpu.memory_space<hbm>> -> memref<128x128xf32, #tpu.memory_space<hbm>>
    tpu.enqueue_dma source(%arg9 : memref<128x128xf32, #tpu.memory_space<vmem>>) target(%dma_start3A_91 : memref<128x128xf32, #tpu.memory_space<hbm>>) target_semaphore(%arg25 : memref<!tpu.dma_semaphore, #tpu.memory_space<semaphore_mem>>)
    %dma_start3A_92 = arith.constant 3 : i32
    %dma_start3A_93 = arith.constant 0 : i32
    %dma_start3A_94 = tpu.memref_slice %arg5[%dma_start3A_92, %dma_start3A_93] : memref<32x128xi32, #tpu.memory_space<vmem>> -> memref<1x128xi32, #tpu.memory_space<vmem>>
    %dma_start3A_95 = tpu.memref_squeeze %dma_start3A_94 : memref<1x128xi32, #tpu.memory_space<vmem>> -> memref<128xi32, #tpu.memory_space<vmem>>
    %dma_start3A_96 = arith.constant 0 : i32
    %dma_start3A_97 = arith.constant 0 : i32
    %dma_start3A_98 = tpu.memref_slice %arg2[%dma_start3A_96, %dma_start3A_97] : memref<100000x128xf32, #tpu.memory_space<hbm>> -> memref<100000x128xf32, #tpu.memory_space<hbm>>
    tpu.enqueue_indirect_dma source(%dma_start3A_98 : memref<100000x128xf32, #tpu.memory_space<hbm>>) target(%arg13 : memref<128x128xf32, #tpu.memory_space<vmem>>) offsets(%dma_start3A_95 : memref<128xi32, #tpu.memory_space<vmem>>) semaphore(%arg21 : memref<!tpu.dma_semaphore, #tpu.memory_space<semaphore_mem>>)
    %dma_wait3A_99 = arith.constant 1 : i32
    %dma_wait3A_100 = arith.constant 0 : i32
    %dma_wait3A_101 = tpu.memref_slice %arg6[%dma_wait3A_99, %dma_wait3A_100] : memref<32x72xi32, #tpu.memory_space<vmem>> -> memref<1x72xi32, #tpu.memory_space<vmem>>
    %dma_wait3A_102 = tpu.memref_squeeze %dma_wait3A_101 : memref<1x72xi32, #tpu.memory_space<vmem>> -> memref<72xi32, #tpu.memory_space<vmem>>
    %dma_wait3A_103 = arith.constant 0 : i32
    %dma_wait3A_104 = arith.constant 0 : i32
    %dma_wait3A_105 = tpu.memref_slice %arg2[%dma_wait3A_103, %dma_wait3A_104] : memref<100000x128xf32, #tpu.memory_space<hbm>> -> memref<100000x128xf32, #tpu.memory_space<hbm>>
    tpu.wait_indirect_dma semaphore(%arg18 : memref<!tpu.dma_semaphore, #tpu.memory_space<semaphore_mem>>) src(%dma_wait3A_105 : memref<100000x128xf32, #tpu.memory_space<hbm>>) dst(%arg10 : memref<72x128xf32, #tpu.memory_space<vmem>>)
    %add3A_106 = arith.constant 200 : i32
    %add3A_107 = arith.addi %mul3A_2, %add3A_106 : i32
    %add3A_108 = arith.constant 128 : i32
    %add3A_109 = arith.addi %add3A_107, %add3A_108 : i32
    %dma_start3A_110 = arith.constant 0 : i32
    %dma_start3A_111 = tpu.memref_slice %arg4[%add3A_109, %dma_start3A_110] : memref<204800x128xf32, #tpu.memory_space<hbm>> -> memref<72x128xf32, #tpu.memory_space<hbm>>
    %dma_start3A_112 = arith.constant 0 : i32
    %dma_start3A_113 = tpu.memref_slice %arg4[%add3A_109, %dma_start3A_112] : memref<204800x128xf32, #tpu.memory_space<hbm>> -> memref<72x128xf32, #tpu.memory_space<hbm>>
    tpu.enqueue_dma source(%arg10 : memref<72x128xf32, #tpu.memory_space<vmem>>) target(%dma_start3A_113 : memref<72x128xf32, #tpu.memory_space<hbm>>) target_semaphore(%arg26 : memref<!tpu.dma_semaphore, #tpu.memory_space<semaphore_mem>>)
    %dma_start3A_114 = arith.constant 3 : i32
    %dma_start3A_115 = arith.constant 0 : i32
    %dma_start3A_116 = tpu.memref_slice %arg6[%dma_start3A_114, %dma_start3A_115] : memref<32x72xi32, #tpu.memory_space<vmem>> -> memref<1x72xi32, #tpu.memory_space<vmem>>
    %dma_start3A_117 = tpu.memref_squeeze %dma_start3A_116 : memref<1x72xi32, #tpu.memory_space<vmem>> -> memref<72xi32, #tpu.memory_space<vmem>>
    %dma_start3A_118 = arith.constant 0 : i32
    %dma_start3A_119 = arith.constant 0 : i32
    %dma_start3A_120 = tpu.memref_slice %arg2[%dma_start3A_118, %dma_start3A_119] : memref<100000x128xf32, #tpu.memory_space<hbm>> -> memref<100000x128xf32, #tpu.memory_space<hbm>>
    tpu.enqueue_indirect_dma source(%dma_start3A_120 : memref<100000x128xf32, #tpu.memory_space<hbm>>) target(%arg14 : memref<72x128xf32, #tpu.memory_space<vmem>>) offsets(%dma_start3A_117 : memref<72xi32, #tpu.memory_space<vmem>>) semaphore(%arg22 : memref<!tpu.dma_semaphore, #tpu.memory_space<semaphore_mem>>)
    %scan3A = arith.constant 0 : i32
    %scan3A_121 = arith.constant 0 : i32
    %scan3A_122 = arith.constant 7 : i32
    %scan3A_123 = arith.addi %scan3A_121, %scan3A_122 : i32
    %scan3A_124 = arith.constant 1 : i32
    scf.for %scan3A_250 = %scan3A_121 to %scan3A_123 step %scan3A_124  : i32 {
      %mul3A_251 = arith.constant 8 : i32
      %mul3A_252 = arith.muli %scan3A_250, %mul3A_251 : i32
      %add3A_253 = arith.constant 4 : i32
      %add3A_254 = arith.addi %add3A_253, %mul3A_252 : i32
      %jit3A = arith.constant 2 : i32
      %div3A = arith.divsi %add3A_254, %jit3A : i32
      %sign3A = arith.constant 0 : i32
      %sign3A_255 = arith.cmpi sgt, %add3A_254, %sign3A : i32
      %sign3A_256 = arith.extui %sign3A_255 : i1 to i32
      %sign3A_257 = arith.constant 0 : i32
      %sign3A_258 = arith.cmpi slt, %add3A_254, %sign3A_257 : i32
      %sign3A_259 = arith.extui %sign3A_258 : i1 to i32
      %sign3A_260 = arith.subi %sign3A_256, %sign3A_259 : i32
      %sign3A_261 = arith.constant 0 : i32
      %sign3A_262 = arith.cmpi sgt, %jit3A, %sign3A_261 : i32
      %sign3A_263 = arith.extui %sign3A_262 : i1 to i32
      %sign3A_264 = arith.constant 0 : i32
      %sign3A_265 = arith.cmpi slt, %jit3A, %sign3A_264 : i32
      %sign3A_266 = arith.extui %sign3A_265 : i1 to i32
      %sign3A_267 = arith.subi %sign3A_263, %sign3A_266 : i32
      %ne3A = arith.cmpi ne, %sign3A_260, %sign3A_267 : i32
      %rem3A = arith.remsi %add3A_254, %jit3A : i32
      %ne3A_268 = arith.constant 0 : i32
      %ne3A_269 = arith.cmpi ne, %rem3A, %ne3A_268 : i32
      %and3A = arith.andi %ne3A, %ne3A_269 : i1
      %sub3A = arith.constant 1 : i32
      %sub3A_270 = arith.subi %div3A, %sub3A : i32
      %select_n3A = arith.select %and3A, %sub3A_270, %div3A : i32
      %add3A_271 = arith.constant 2 : i32
      %add3A_272 = arith.addi %select_n3A, %add3A_271 : i32
      %sub3A_273 = arith.constant 2 : i32
      %sub3A_274 = arith.subi %add3A_272, %sub3A_273 : i32
      %dma_wait3A_275 = arith.constant 0 : i32
      %dma_wait3A_276 = tpu.memref_slice %arg5[%sub3A_274, %dma_wait3A_275] : memref<32x128xi32, #tpu.memory_space<vmem>> -> memref<1x128xi32, #tpu.memory_space<vmem>>
      %dma_wait3A_277 = tpu.memref_squeeze %dma_wait3A_276 : memref<1x128xi32, #tpu.memory_space<vmem>> -> memref<128xi32, #tpu.memory_space<vmem>>
      %dma_wait3A_278 = arith.constant 0 : i32
      %dma_wait3A_279 = arith.constant 0 : i32
      %dma_wait3A_280 = tpu.memref_slice %arg2[%dma_wait3A_278, %dma_wait3A_279] : memref<100000x128xf32, #tpu.memory_space<hbm>> -> memref<100000x128xf32, #tpu.memory_space<hbm>>
      tpu.wait_indirect_dma semaphore(%arg19 : memref<!tpu.dma_semaphore, #tpu.memory_space<semaphore_mem>>) src(%dma_wait3A_280 : memref<100000x128xf32, #tpu.memory_space<hbm>>) dst(%arg11 : memref<128x128xf32, #tpu.memory_space<vmem>>)
      %mul3A_281 = arith.constant 200 : i32
      %mul3A_282 = arith.muli %sub3A_274, %mul3A_281 : i32
      %add3A_283 = arith.addi %mul3A_2, %mul3A_282 : i32
      %add3A_284 = arith.constant 0 : i32
      %add3A_285 = arith.addi %add3A_283, %add3A_284 : i32
      %dma_start3A_286 = arith.constant 0 : i32
      %dma_start3A_287 = tpu.memref_slice %arg4[%add3A_285, %dma_start3A_286] : memref<204800x128xf32, #tpu.memory_space<hbm>> -> memref<128x128xf32, #tpu.memory_space<hbm>>
      %dma_start3A_288 = arith.constant 0 : i32
      %dma_start3A_289 = tpu.memref_slice %arg4[%add3A_285, %dma_start3A_288] : memref<204800x128xf32, #tpu.memory_space<hbm>> -> memref<128x128xf32, #tpu.memory_space<hbm>>
      tpu.enqueue_dma source(%arg11 : memref<128x128xf32, #tpu.memory_space<vmem>>) target(%dma_start3A_289 : memref<128x128xf32, #tpu.memory_space<hbm>>) target_semaphore(%arg27 : memref<!tpu.dma_semaphore, #tpu.memory_space<semaphore_mem>>)
      %add3A_290 = arith.constant -2 : i32
      %add3A_291 = arith.addi %sub3A_274, %add3A_290 : i32
      %mul3A_292 = arith.constant 200 : i32
      %mul3A_293 = arith.muli %add3A_291, %mul3A_292 : i32
      %add3A_294 = arith.addi %mul3A_2, %mul3A_293 : i32
      %add3A_295 = arith.constant 0 : i32
      %add3A_296 = arith.addi %add3A_294, %add3A_295 : i32
      %dma_wait3A_297 = arith.constant 0 : i32
      %dma_wait3A_298 = tpu.memref_slice %arg4[%add3A_296, %dma_wait3A_297] : memref<204800x128xf32, #tpu.memory_space<hbm>> -> memref<128x128xf32, #tpu.memory_space<hbm>>
      %dma_wait3A_299 = arith.constant 0 : i32
      %dma_wait3A_300 = tpu.memref_slice %arg4[%add3A_296, %dma_wait3A_299] : memref<204800x128xf32, #tpu.memory_space<hbm>> -> memref<128x128xf32, #tpu.memory_space<hbm>>
      tpu.wait_dma2 semaphore(%arg23 : memref<!tpu.dma_semaphore, #tpu.memory_space<semaphore_mem>>) src(%arg7 : memref<128x128xf32, #tpu.memory_space<vmem>>) dst(%dma_wait3A_300 : memref<128x128xf32, #tpu.memory_space<hbm>>)
      %add3A_301 = arith.constant 2 : i32
      %add3A_302 = arith.addi %sub3A_274, %add3A_301 : i32
      %dma_start3A_303 = arith.constant 0 : i32
      %dma_start3A_304 = tpu.memref_slice %arg5[%add3A_302, %dma_start3A_303] : memref<32x128xi32, #tpu.memory_space<vmem>> -> memref<1x128xi32, #tpu.memory_space<vmem>>
      %dma_start3A_305 = tpu.memref_squeeze %dma_start3A_304 : memref<1x128xi32, #tpu.memory_space<vmem>> -> memref<128xi32, #tpu.memory_space<vmem>>
      %dma_start3A_306 = arith.constant 0 : i32
      %dma_start3A_307 = arith.constant 0 : i32
      %dma_start3A_308 = tpu.memref_slice %arg2[%dma_start3A_306, %dma_start3A_307] : memref<100000x128xf32, #tpu.memory_space<hbm>> -> memref<100000x128xf32, #tpu.memory_space<hbm>>
      tpu.enqueue_indirect_dma source(%dma_start3A_308 : memref<100000x128xf32, #tpu.memory_space<hbm>>) target(%arg7 : memref<128x128xf32, #tpu.memory_space<vmem>>) offsets(%dma_start3A_305 : memref<128xi32, #tpu.memory_space<vmem>>) semaphore(%arg15 : memref<!tpu.dma_semaphore, #tpu.memory_space<semaphore_mem>>)
      %add3A_309 = arith.constant 2 : i32
      %add3A_310 = arith.addi %select_n3A, %add3A_309 : i32
      %sub3A_311 = arith.constant 2 : i32
      %sub3A_312 = arith.subi %add3A_310, %sub3A_311 : i32
      %dma_wait3A_313 = arith.constant 0 : i32
      %dma_wait3A_314 = tpu.memref_slice %arg6[%sub3A_312, %dma_wait3A_313] : memref<32x72xi32, #tpu.memory_space<vmem>> -> memref<1x72xi32, #tpu.memory_space<vmem>>
      %dma_wait3A_315 = tpu.memref_squeeze %dma_wait3A_314 : memref<1x72xi32, #tpu.memory_space<vmem>> -> memref<72xi32, #tpu.memory_space<vmem>>
      %dma_wait3A_316 = arith.constant 0 : i32
      %dma_wait3A_317 = arith.constant 0 : i32
      %dma_wait3A_318 = tpu.memref_slice %arg2[%dma_wait3A_316, %dma_wait3A_317] : memref<100000x128xf32, #tpu.memory_space<hbm>> -> memref<100000x128xf32, #tpu.memory_space<hbm>>
      tpu.wait_indirect_dma semaphore(%arg20 : memref<!tpu.dma_semaphore, #tpu.memory_space<semaphore_mem>>) src(%dma_wait3A_318 : memref<100000x128xf32, #tpu.memory_space<hbm>>) dst(%arg12 : memref<72x128xf32, #tpu.memory_space<vmem>>)
      %mul3A_319 = arith.constant 200 : i32
      %mul3A_320 = arith.muli %sub3A_312, %mul3A_319 : i32
      %add3A_321 = arith.addi %mul3A_2, %mul3A_320 : i32
      %add3A_322 = arith.constant 128 : i32
      %add3A_323 = arith.addi %add3A_321, %add3A_322 : i32
      %dma_start3A_324 = arith.constant 0 : i32
      %dma_start3A_325 = tpu.memref_slice %arg4[%add3A_323, %dma_start3A_324] : memref<204800x128xf32, #tpu.memory_space<hbm>> -> memref<72x128xf32, #tpu.memory_space<hbm>>
      %dma_start3A_326 = arith.constant 0 : i32
      %dma_start3A_327 = tpu.memref_slice %arg4[%add3A_323, %dma_start3A_326] : memref<204800x128xf32, #tpu.memory_space<hbm>> -> memref<72x128xf32, #tpu.memory_space<hbm>>
      tpu.enqueue_dma source(%arg12 : memref<72x128xf32, #tpu.memory_space<vmem>>) target(%dma_start3A_327 : memref<72x128xf32, #tpu.memory_space<hbm>>) target_semaphore(%arg28 : memref<!tpu.dma_semaphore, #tpu.memory_space<semaphore_mem>>)
      %add3A_328 = arith.constant -2 : i32
      %add3A_329 = arith.addi %sub3A_312, %add3A_328 : i32
      %mul3A_330 = arith.constant 200 : i32
      %mul3A_331 = arith.muli %add3A_329, %mul3A_330 : i32
      %add3A_332 = arith.addi %mul3A_2, %mul3A_331 : i32
      %add3A_333 = arith.constant 128 : i32
      %add3A_334 = arith.addi %add3A_332, %add3A_333 : i32
      %dma_wait3A_335 = arith.constant 0 : i32
      %dma_wait3A_336 = tpu.memref_slice %arg4[%add3A_334, %dma_wait3A_335] : memref<204800x128xf32, #tpu.memory_space<hbm>> -> memref<72x128xf32, #tpu.memory_space<hbm>>
      %dma_wait3A_337 = arith.constant 0 : i32
      %dma_wait3A_338 = tpu.memref_slice %arg4[%add3A_334, %dma_wait3A_337] : memref<204800x128xf32, #tpu.memory_space<hbm>> -> memref<72x128xf32, #tpu.memory_space<hbm>>
      tpu.wait_dma2 semaphore(%arg24 : memref<!tpu.dma_semaphore, #tpu.memory_space<semaphore_mem>>) src(%arg8 : memref<72x128xf32, #tpu.memory_space<vmem>>) dst(%dma_wait3A_338 : memref<72x128xf32, #tpu.memory_space<hbm>>)
      %add3A_339 = arith.constant 2 : i32
      %add3A_340 = arith.addi %sub3A_312, %add3A_339 : i32
      %dma_start3A_341 = arith.constant 0 : i32
      %dma_start3A_342 = tpu.memref_slice %arg6[%add3A_340, %dma_start3A_341] : memref<32x72xi32, #tpu.memory_space<vmem>> -> memref<1x72xi32, #tpu.memory_space<vmem>>
      %dma_start3A_343 = tpu.memref_squeeze %dma_start3A_342 : memref<1x72xi32, #tpu.memory_space<vmem>> -> memref<72xi32, #tpu.memory_space<vmem>>
      %dma_start3A_344 = arith.constant 0 : i32
      %dma_start3A_345 = arith.constant 0 : i32
      %dma_start3A_346 = tpu.memref_slice %arg2[%dma_start3A_344, %dma_start3A_345] : memref<100000x128xf32, #tpu.memory_space<hbm>> -> memref<100000x128xf32, #tpu.memory_space<hbm>>
      tpu.enqueue_indirect_dma source(%dma_start3A_346 : memref<100000x128xf32, #tpu.memory_space<hbm>>) target(%arg8 : memref<72x128xf32, #tpu.memory_space<vmem>>) offsets(%dma_start3A_343 : memref<72xi32, #tpu.memory_space<vmem>>) semaphore(%arg16 : memref<!tpu.dma_semaphore, #tpu.memory_space<semaphore_mem>>)
      %add3A_347 = arith.constant 3 : i32
      %add3A_348 = arith.addi %select_n3A, %add3A_347 : i32
      %sub3A_349 = arith.constant 2 : i32
      %sub3A_350 = arith.subi %add3A_348, %sub3A_349 : i32
      %dma_wait3A_351 = arith.constant 0 : i32
      %dma_wait3A_352 = tpu.memref_slice %arg5[%sub3A_350, %dma_wait3A_351] : memref<32x128xi32, #tpu.memory_space<vmem>> -> memref<1x128xi32, #tpu.memory_space<vmem>>
      %dma_wait3A_353 = tpu.memref_squeeze %dma_wait3A_352 : memref<1x128xi32, #tpu.memory_space<vmem>> -> memref<128xi32, #tpu.memory_space<vmem>>
      %dma_wait3A_354 = arith.constant 0 : i32
      %dma_wait3A_355 = arith.constant 0 : i32
      %dma_wait3A_356 = tpu.memref_slice %arg2[%dma_wait3A_354, %dma_wait3A_355] : memref<100000x128xf32, #tpu.memory_space<hbm>> -> memref<100000x128xf32, #tpu.memory_space<hbm>>
      tpu.wait_indirect_dma semaphore(%arg21 : memref<!tpu.dma_semaphore, #tpu.memory_space<semaphore_mem>>) src(%dma_wait3A_356 : memref<100000x128xf32, #tpu.memory_space<hbm>>) dst(%arg13 : memref<128x128xf32, #tpu.memory_space<vmem>>)
      %mul3A_357 = arith.constant 200 : i32
      %mul3A_358 = arith.muli %sub3A_350, %mul3A_357 : i32
      %add3A_359 = arith.addi %mul3A_2, %mul3A_358 : i32
      %add3A_360 = arith.constant 0 : i32
      %add3A_361 = arith.addi %add3A_359, %add3A_360 : i32
      %dma_start3A_362 = arith.constant 0 : i32
      %dma_start3A_363 = tpu.memref_slice %arg4[%add3A_361, %dma_start3A_362] : memref<204800x128xf32, #tpu.memory_space<hbm>> -> memref<128x128xf32, #tpu.memory_space<hbm>>
      %dma_start3A_364 = arith.constant 0 : i32
      %dma_start3A_365 = tpu.memref_slice %arg4[%add3A_361, %dma_start3A_364] : memref<204800x128xf32, #tpu.memory_space<hbm>> -> memref<128x128xf32, #tpu.memory_space<hbm>>
      tpu.enqueue_dma source(%arg13 : memref<128x128xf32, #tpu.memory_space<vmem>>) target(%dma_start3A_365 : memref<128x128xf32, #tpu.memory_space<hbm>>) target_semaphore(%arg29 : memref<!tpu.dma_semaphore, #tpu.memory_space<semaphore_mem>>)
      %add3A_366 = arith.constant -2 : i32
      %add3A_367 = arith.addi %sub3A_350, %add3A_366 : i32
      %mul3A_368 = arith.constant 200 : i32
      %mul3A_369 = arith.muli %add3A_367, %mul3A_368 : i32
      %add3A_370 = arith.addi %mul3A_2, %mul3A_369 : i32
      %add3A_371 = arith.constant 0 : i32
      %add3A_372 = arith.addi %add3A_370, %add3A_371 : i32
      %dma_wait3A_373 = arith.constant 0 : i32
      %dma_wait3A_374 = tpu.memref_slice %arg4[%add3A_372, %dma_wait3A_373] : memref<204800x128xf32, #tpu.memory_space<hbm>> -> memref<128x128xf32, #tpu.memory_space<hbm>>
      %dma_wait3A_375 = arith.constant 0 : i32
      %dma_wait3A_376 = tpu.memref_slice %arg4[%add3A_372, %dma_wait3A_375] : memref<204800x128xf32, #tpu.memory_space<hbm>> -> memref<128x128xf32, #tpu.memory_space<hbm>>
      tpu.wait_dma2 semaphore(%arg25 : memref<!tpu.dma_semaphore, #tpu.memory_space<semaphore_mem>>) src(%arg9 : memref<128x128xf32, #tpu.memory_space<vmem>>) dst(%dma_wait3A_376 : memref<128x128xf32, #tpu.memory_space<hbm>>)
      %add3A_377 = arith.constant 2 : i32
      %add3A_378 = arith.addi %sub3A_350, %add3A_377 : i32
      %dma_start3A_379 = arith.constant 0 : i32
      %dma_start3A_380 = tpu.memref_slice %arg5[%add3A_378, %dma_start3A_379] : memref<32x128xi32, #tpu.memory_space<vmem>> -> memref<1x128xi32, #tpu.memory_space<vmem>>
      %dma_start3A_381 = tpu.memref_squeeze %dma_start3A_380 : memref<1x128xi32, #tpu.memory_space<vmem>> -> memref<128xi32, #tpu.memory_space<vmem>>
      %dma_start3A_382 = arith.constant 0 : i32
      %dma_start3A_383 = arith.constant 0 : i32
      %dma_start3A_384 = tpu.memref_slice %arg2[%dma_start3A_382, %dma_start3A_383] : memref<100000x128xf32, #tpu.memory_space<hbm>> -> memref<100000x128xf32, #tpu.memory_space<hbm>>
      tpu.enqueue_indirect_dma source(%dma_start3A_384 : memref<100000x128xf32, #tpu.memory_space<hbm>>) target(%arg9 : memref<128x128xf32, #tpu.memory_space<vmem>>) offsets(%dma_start3A_381 : memref<128xi32, #tpu.memory_space<vmem>>) semaphore(%arg17 : memref<!tpu.dma_semaphore, #tpu.memory_space<semaphore_mem>>)
      %add3A_385 = arith.constant 3 : i32
      %add3A_386 = arith.addi %select_n3A, %add3A_385 : i32
      %sub3A_387 = arith.constant 2 : i32
      %sub3A_388 = arith.subi %add3A_386, %sub3A_387 : i32
      %dma_wait3A_389 = arith.constant 0 : i32
      %dma_wait3A_390 = tpu.memref_slice %arg6[%sub3A_388, %dma_wait3A_389] : memref<32x72xi32, #tpu.memory_space<vmem>> -> memref<1x72xi32, #tpu.memory_space<vmem>>
      %dma_wait3A_391 = tpu.memref_squeeze %dma_wait3A_390 : memref<1x72xi32, #tpu.memory_space<vmem>> -> memref<72xi32, #tpu.memory_space<vmem>>
      %dma_wait3A_392 = arith.constant 0 : i32
      %dma_wait3A_393 = arith.constant 0 : i32
      %dma_wait3A_394 = tpu.memref_slice %arg2[%dma_wait3A_392, %dma_wait3A_393] : memref<100000x128xf32, #tpu.memory_space<hbm>> -> memref<100000x128xf32, #tpu.memory_space<hbm>>
      tpu.wait_indirect_dma semaphore(%arg22 : memref<!tpu.dma_semaphore, #tpu.memory_space<semaphore_mem>>) src(%dma_wait3A_394 : memref<100000x128xf32, #tpu.memory_space<hbm>>) dst(%arg14 : memref<72x128xf32, #tpu.memory_space<vmem>>)
      %mul3A_395 = arith.constant 200 : i32
      %mul3A_396 = arith.muli %sub3A_388, %mul3A_395 : i32
      %add3A_397 = arith.addi %mul3A_2, %mul3A_396 : i32
      %add3A_398 = arith.constant 128 : i32
      %add3A_399 = arith.addi %add3A_397, %add3A_398 : i32
      %dma_start3A_400 = arith.constant 0 : i32
      %dma_start3A_401 = tpu.memref_slice %arg4[%add3A_399, %dma_start3A_400] : memref<204800x128xf32, #tpu.memory_space<hbm>> -> memref<72x128xf32, #tpu.memory_space<hbm>>
      %dma_start3A_402 = arith.constant 0 : i32
      %dma_start3A_403 = tpu.memref_slice %arg4[%add3A_399, %dma_start3A_402] : memref<204800x128xf32, #tpu.memory_space<hbm>> -> memref<72x128xf32, #tpu.memory_space<hbm>>
      tpu.enqueue_dma source(%arg14 : memref<72x128xf32, #tpu.memory_space<vmem>>) target(%dma_start3A_403 : memref<72x128xf32, #tpu.memory_space<hbm>>) target_semaphore(%arg30 : memref<!tpu.dma_semaphore, #tpu.memory_space<semaphore_mem>>)
      %add3A_404 = arith.constant -2 : i32
      %add3A_405 = arith.addi %sub3A_388, %add3A_404 : i32
      %mul3A_406 = arith.constant 200 : i32
      %mul3A_407 = arith.muli %add3A_405, %mul3A_406 : i32
      %add3A_408 = arith.addi %mul3A_2, %mul3A_407 : i32
      %add3A_409 = arith.constant 128 : i32
      %add3A_410 = arith.addi %add3A_408, %add3A_409 : i32
      %dma_wait3A_411 = arith.constant 0 : i32
      %dma_wait3A_412 = tpu.memref_slice %arg4[%add3A_410, %dma_wait3A_411] : memref<204800x128xf32, #tpu.memory_space<hbm>> -> memref<72x128xf32, #tpu.memory_space<hbm>>
      %dma_wait3A_413 = arith.constant 0 : i32
      %dma_wait3A_414 = tpu.memref_slice %arg4[%add3A_410, %dma_wait3A_413] : memref<204800x128xf32, #tpu.memory_space<hbm>> -> memref<72x128xf32, #tpu.memory_space<hbm>>
      tpu.wait_dma2 semaphore(%arg26 : memref<!tpu.dma_semaphore, #tpu.memory_space<semaphore_mem>>) src(%arg10 : memref<72x128xf32, #tpu.memory_space<vmem>>) dst(%dma_wait3A_414 : memref<72x128xf32, #tpu.memory_space<hbm>>)
      %add3A_415 = arith.constant 2 : i32
      %add3A_416 = arith.addi %sub3A_388, %add3A_415 : i32
      %dma_start3A_417 = arith.constant 0 : i32
      %dma_start3A_418 = tpu.memref_slice %arg6[%add3A_416, %dma_start3A_417] : memref<32x72xi32, #tpu.memory_space<vmem>> -> memref<1x72xi32, #tpu.memory_space<vmem>>
      %dma_start3A_419 = tpu.memref_squeeze %dma_start3A_418 : memref<1x72xi32, #tpu.memory_space<vmem>> -> memref<72xi32, #tpu.memory_space<vmem>>
      %dma_start3A_420 = arith.constant 0 : i32
      %dma_start3A_421 = arith.constant 0 : i32
      %dma_start3A_422 = tpu.memref_slice %arg2[%dma_start3A_420, %dma_start3A_421] : memref<100000x128xf32, #tpu.memory_space<hbm>> -> memref<100000x128xf32, #tpu.memory_space<hbm>>
      tpu.enqueue_indirect_dma source(%dma_start3A_422 : memref<100000x128xf32, #tpu.memory_space<hbm>>) target(%arg10 : memref<72x128xf32, #tpu.memory_space<vmem>>) offsets(%dma_start3A_419 : memref<72xi32, #tpu.memory_space<vmem>>) semaphore(%arg18 : memref<!tpu.dma_semaphore, #tpu.memory_space<semaphore_mem>>)
      %add3A_423 = arith.constant 4 : i32
      %add3A_424 = arith.addi %select_n3A, %add3A_423 : i32
      %sub3A_425 = arith.constant 2 : i32
      %sub3A_426 = arith.subi %add3A_424, %sub3A_425 : i32
      %dma_wait3A_427 = arith.constant 0 : i32
      %dma_wait3A_428 = tpu.memref_slice %arg5[%sub3A_426, %dma_wait3A_427] : memref<32x128xi32, #tpu.memory_space<vmem>> -> memref<1x128xi32, #tpu.memory_space<vmem>>
      %dma_wait3A_429 = tpu.memref_squeeze %dma_wait3A_428 : memref<1x128xi32, #tpu.memory_space<vmem>> -> memref<128xi32, #tpu.memory_space<vmem>>
      %dma_wait3A_430 = arith.constant 0 : i32
      %dma_wait3A_431 = arith.constant 0 : i32
      %dma_wait3A_432 = tpu.memref_slice %arg2[%dma_wait3A_430, %dma_wait3A_431] : memref<100000x128xf32, #tpu.memory_space<hbm>> -> memref<100000x128xf32, #tpu.memory_space<hbm>>
      tpu.wait_indirect_dma semaphore(%arg15 : memref<!tpu.dma_semaphore, #tpu.memory_space<semaphore_mem>>) src(%dma_wait3A_432 : memref<100000x128xf32, #tpu.memory_space<hbm>>) dst(%arg7 : memref<128x128xf32, #tpu.memory_space<vmem>>)
      %mul3A_433 = arith.constant 200 : i32
      %mul3A_434 = arith.muli %sub3A_426, %mul3A_433 : i32
      %add3A_435 = arith.addi %mul3A_2, %mul3A_434 : i32
      %add3A_436 = arith.constant 0 : i32
      %add3A_437 = arith.addi %add3A_435, %add3A_436 : i32
      %dma_start3A_438 = arith.constant 0 : i32
      %dma_start3A_439 = tpu.memref_slice %arg4[%add3A_437, %dma_start3A_438] : memref<204800x128xf32, #tpu.memory_space<hbm>> -> memref<128x128xf32, #tpu.memory_space<hbm>>
      %dma_start3A_440 = arith.constant 0 : i32
      %dma_start3A_441 = tpu.memref_slice %arg4[%add3A_437, %dma_start3A_440] : memref<204800x128xf32, #tpu.memory_space<hbm>> -> memref<128x128xf32, #tpu.memory_space<hbm>>
      tpu.enqueue_dma source(%arg7 : memref<128x128xf32, #tpu.memory_space<vmem>>) target(%dma_start3A_441 : memref<128x128xf32, #tpu.memory_space<hbm>>) target_semaphore(%arg23 : memref<!tpu.dma_semaphore, #tpu.memory_space<semaphore_mem>>)
      %add3A_442 = arith.constant -2 : i32
      %add3A_443 = arith.addi %sub3A_426, %add3A_442 : i32
      %mul3A_444 = arith.constant 200 : i32
      %mul3A_445 = arith.muli %add3A_443, %mul3A_444 : i32
      %add3A_446 = arith.addi %mul3A_2, %mul3A_445 : i32
      %add3A_447 = arith.constant 0 : i32
      %add3A_448 = arith.addi %add3A_446, %add3A_447 : i32
      %dma_wait3A_449 = arith.constant 0 : i32
      %dma_wait3A_450 = tpu.memref_slice %arg4[%add3A_448, %dma_wait3A_449] : memref<204800x128xf32, #tpu.memory_space<hbm>> -> memref<128x128xf32, #tpu.memory_space<hbm>>
      %dma_wait3A_451 = arith.constant 0 : i32
      %dma_wait3A_452 = tpu.memref_slice %arg4[%add3A_448, %dma_wait3A_451] : memref<204800x128xf32, #tpu.memory_space<hbm>> -> memref<128x128xf32, #tpu.memory_space<hbm>>
      tpu.wait_dma2 semaphore(%arg27 : memref<!tpu.dma_semaphore, #tpu.memory_space<semaphore_mem>>) src(%arg11 : memref<128x128xf32, #tpu.memory_space<vmem>>) dst(%dma_wait3A_452 : memref<128x128xf32, #tpu.memory_space<hbm>>)
      %add3A_453 = arith.constant 2 : i32
      %add3A_454 = arith.addi %sub3A_426, %add3A_453 : i32
      %dma_start3A_455 = arith.constant 0 : i32
      %dma_start3A_456 = tpu.memref_slice %arg5[%add3A_454, %dma_start3A_455] : memref<32x128xi32, #tpu.memory_space<vmem>> -> memref<1x128xi32, #tpu.memory_space<vmem>>
      %dma_start3A_457 = tpu.memref_squeeze %dma_start3A_456 : memref<1x128xi32, #tpu.memory_space<vmem>> -> memref<128xi32, #tpu.memory_space<vmem>>
      %dma_start3A_458 = arith.constant 0 : i32
      %dma_start3A_459 = arith.constant 0 : i32
      %dma_start3A_460 = tpu.memref_slice %arg2[%dma_start3A_458, %dma_start3A_459] : memref<100000x128xf32, #tpu.memory_space<hbm>> -> memref<100000x128xf32, #tpu.memory_space<hbm>>
      tpu.enqueue_indirect_dma source(%dma_start3A_460 : memref<100000x128xf32, #tpu.memory_space<hbm>>) target(%arg11 : memref<128x128xf32, #tpu.memory_space<vmem>>) offsets(%dma_start3A_457 : memref<128xi32, #tpu.memory_space<vmem>>) semaphore(%arg19 : memref<!tpu.dma_semaphore, #tpu.memory_space<semaphore_mem>>)
      %add3A_461 = arith.constant 4 : i32
      %add3A_462 = arith.addi %select_n3A, %add3A_461 : i32
      %sub3A_463 = arith.constant 2 : i32
      %sub3A_464 = arith.subi %add3A_462, %sub3A_463 : i32
      %dma_wait3A_465 = arith.constant 0 : i32
      %dma_wait3A_466 = tpu.memref_slice %arg6[%sub3A_464, %dma_wait3A_465] : memref<32x72xi32, #tpu.memory_space<vmem>> -> memref<1x72xi32, #tpu.memory_space<vmem>>
      %dma_wait3A_467 = tpu.memref_squeeze %dma_wait3A_466 : memref<1x72xi32, #tpu.memory_space<vmem>> -> memref<72xi32, #tpu.memory_space<vmem>>
      %dma_wait3A_468 = arith.constant 0 : i32
      %dma_wait3A_469 = arith.constant 0 : i32
      %dma_wait3A_470 = tpu.memref_slice %arg2[%dma_wait3A_468, %dma_wait3A_469] : memref<100000x128xf32, #tpu.memory_space<hbm>> -> memref<100000x128xf32, #tpu.memory_space<hbm>>
      tpu.wait_indirect_dma semaphore(%arg16 : memref<!tpu.dma_semaphore, #tpu.memory_space<semaphore_mem>>) src(%dma_wait3A_470 : memref<100000x128xf32, #tpu.memory_space<hbm>>) dst(%arg8 : memref<72x128xf32, #tpu.memory_space<vmem>>)
      %mul3A_471 = arith.constant 200 : i32
      %mul3A_472 = arith.muli %sub3A_464, %mul3A_471 : i32
      %add3A_473 = arith.addi %mul3A_2, %mul3A_472 : i32
      %add3A_474 = arith.constant 128 : i32
      %add3A_475 = arith.addi %add3A_473, %add3A_474 : i32
      %dma_start3A_476 = arith.constant 0 : i32
      %dma_start3A_477 = tpu.memref_slice %arg4[%add3A_475, %dma_start3A_476] : memref<204800x128xf32, #tpu.memory_space<hbm>> -> memref<72x128xf32, #tpu.memory_space<hbm>>
      %dma_start3A_478 = arith.constant 0 : i32
      %dma_start3A_479 = tpu.memref_slice %arg4[%add3A_475, %dma_start3A_478] : memref<204800x128xf32, #tpu.memory_space<hbm>> -> memref<72x128xf32, #tpu.memory_space<hbm>>
      tpu.enqueue_dma source(%arg8 : memref<72x128xf32, #tpu.memory_space<vmem>>) target(%dma_start3A_479 : memref<72x128xf32, #tpu.memory_space<hbm>>) target_semaphore(%arg24 : memref<!tpu.dma_semaphore, #tpu.memory_space<semaphore_mem>>)
      %add3A_480 = arith.constant -2 : i32
      %add3A_481 = arith.addi %sub3A_464, %add3A_480 : i32
      %mul3A_482 = arith.constant 200 : i32
      %mul3A_483 = arith.muli %add3A_481, %mul3A_482 : i32
      %add3A_484 = arith.addi %mul3A_2, %mul3A_483 : i32
      %add3A_485 = arith.constant 128 : i32
      %add3A_486 = arith.addi %add3A_484, %add3A_485 : i32
      %dma_wait3A_487 = arith.constant 0 : i32
      %dma_wait3A_488 = tpu.memref_slice %arg4[%add3A_486, %dma_wait3A_487] : memref<204800x128xf32, #tpu.memory_space<hbm>> -> memref<72x128xf32, #tpu.memory_space<hbm>>
      %dma_wait3A_489 = arith.constant 0 : i32
      %dma_wait3A_490 = tpu.memref_slice %arg4[%add3A_486, %dma_wait3A_489] : memref<204800x128xf32, #tpu.memory_space<hbm>> -> memref<72x128xf32, #tpu.memory_space<hbm>>
      tpu.wait_dma2 semaphore(%arg28 : memref<!tpu.dma_semaphore, #tpu.memory_space<semaphore_mem>>) src(%arg12 : memref<72x128xf32, #tpu.memory_space<vmem>>) dst(%dma_wait3A_490 : memref<72x128xf32, #tpu.memory_space<hbm>>)
      %add3A_491 = arith.constant 2 : i32
      %add3A_492 = arith.addi %sub3A_464, %add3A_491 : i32
      %dma_start3A_493 = arith.constant 0 : i32
      %dma_start3A_494 = tpu.memref_slice %arg6[%add3A_492, %dma_start3A_493] : memref<32x72xi32, #tpu.memory_space<vmem>> -> memref<1x72xi32, #tpu.memory_space<vmem>>
      %dma_start3A_495 = tpu.memref_squeeze %dma_start3A_494 : memref<1x72xi32, #tpu.memory_space<vmem>> -> memref<72xi32, #tpu.memory_space<vmem>>
      %dma_start3A_496 = arith.constant 0 : i32
      %dma_start3A_497 = arith.constant 0 : i32
      %dma_start3A_498 = tpu.memref_slice %arg2[%dma_start3A_496, %dma_start3A_497] : memref<100000x128xf32, #tpu.memory_space<hbm>> -> memref<100000x128xf32, #tpu.memory_space<hbm>>
      tpu.enqueue_indirect_dma source(%dma_start3A_498 : memref<100000x128xf32, #tpu.memory_space<hbm>>) target(%arg12 : memref<72x128xf32, #tpu.memory_space<vmem>>) offsets(%dma_start3A_495 : memref<72xi32, #tpu.memory_space<vmem>>) semaphore(%arg20 : memref<!tpu.dma_semaphore, #tpu.memory_space<semaphore_mem>>)
      %add3A_499 = arith.constant 5 : i32
      %add3A_500 = arith.addi %select_n3A, %add3A_499 : i32
      %sub3A_501 = arith.constant 2 : i32
      %sub3A_502 = arith.subi %add3A_500, %sub3A_501 : i32
      %dma_wait3A_503 = arith.constant 0 : i32
      %dma_wait3A_504 = tpu.memref_slice %arg5[%sub3A_502, %dma_wait3A_503] : memref<32x128xi32, #tpu.memory_space<vmem>> -> memref<1x128xi32, #tpu.memory_space<vmem>>
      %dma_wait3A_505 = tpu.memref_squeeze %dma_wait3A_504 : memref<1x128xi32, #tpu.memory_space<vmem>> -> memref<128xi32, #tpu.memory_space<vmem>>
      %dma_wait3A_506 = arith.constant 0 : i32
      %dma_wait3A_507 = arith.constant 0 : i32
      %dma_wait3A_508 = tpu.memref_slice %arg2[%dma_wait3A_506, %dma_wait3A_507] : memref<100000x128xf32, #tpu.memory_space<hbm>> -> memref<100000x128xf32, #tpu.memory_space<hbm>>
      tpu.wait_indirect_dma semaphore(%arg17 : memref<!tpu.dma_semaphore, #tpu.memory_space<semaphore_mem>>) src(%dma_wait3A_508 : memref<100000x128xf32, #tpu.memory_space<hbm>>) dst(%arg9 : memref<128x128xf32, #tpu.memory_space<vmem>>)
      %mul3A_509 = arith.constant 200 : i32
      %mul3A_510 = arith.muli %sub3A_502, %mul3A_509 : i32
      %add3A_511 = arith.addi %mul3A_2, %mul3A_510 : i32
      %add3A_512 = arith.constant 0 : i32
      %add3A_513 = arith.addi %add3A_511, %add3A_512 : i32
      %dma_start3A_514 = arith.constant 0 : i32
      %dma_start3A_515 = tpu.memref_slice %arg4[%add3A_513, %dma_start3A_514] : memref<204800x128xf32, #tpu.memory_space<hbm>> -> memref<128x128xf32, #tpu.memory_space<hbm>>
      %dma_start3A_516 = arith.constant 0 : i32
      %dma_start3A_517 = tpu.memref_slice %arg4[%add3A_513, %dma_start3A_516] : memref<204800x128xf32, #tpu.memory_space<hbm>> -> memref<128x128xf32, #tpu.memory_space<hbm>>
      tpu.enqueue_dma source(%arg9 : memref<128x128xf32, #tpu.memory_space<vmem>>) target(%dma_start3A_517 : memref<128x128xf32, #tpu.memory_space<hbm>>) target_semaphore(%arg25 : memref<!tpu.dma_semaphore, #tpu.memory_space<semaphore_mem>>)
      %add3A_518 = arith.constant -2 : i32
      %add3A_519 = arith.addi %sub3A_502, %add3A_518 : i32
      %mul3A_520 = arith.constant 200 : i32
      %mul3A_521 = arith.muli %add3A_519, %mul3A_520 : i32
      %add3A_522 = arith.addi %mul3A_2, %mul3A_521 : i32
      %add3A_523 = arith.constant 0 : i32
      %add3A_524 = arith.addi %add3A_522, %add3A_523 : i32
      %dma_wait3A_525 = arith.constant 0 : i32
      %dma_wait3A_526 = tpu.memref_slice %arg4[%add3A_524, %dma_wait3A_525] : memref<204800x128xf32, #tpu.memory_space<hbm>> -> memref<128x128xf32, #tpu.memory_space<hbm>>
      %dma_wait3A_527 = arith.constant 0 : i32
      %dma_wait3A_528 = tpu.memref_slice %arg4[%add3A_524, %dma_wait3A_527] : memref<204800x128xf32, #tpu.memory_space<hbm>> -> memref<128x128xf32, #tpu.memory_space<hbm>>
      tpu.wait_dma2 semaphore(%arg29 : memref<!tpu.dma_semaphore, #tpu.memory_space<semaphore_mem>>) src(%arg13 : memref<128x128xf32, #tpu.memory_space<vmem>>) dst(%dma_wait3A_528 : memref<128x128xf32, #tpu.memory_space<hbm>>)
      %add3A_529 = arith.constant 2 : i32
      %add3A_530 = arith.addi %sub3A_502, %add3A_529 : i32
      %dma_start3A_531 = arith.constant 0 : i32
      %dma_start3A_532 = tpu.memref_slice %arg5[%add3A_530, %dma_start3A_531] : memref<32x128xi32, #tpu.memory_space<vmem>> -> memref<1x128xi32, #tpu.memory_space<vmem>>
      %dma_start3A_533 = tpu.memref_squeeze %dma_start3A_532 : memref<1x128xi32, #tpu.memory_space<vmem>> -> memref<128xi32, #tpu.memory_space<vmem>>
      %dma_start3A_534 = arith.constant 0 : i32
      %dma_start3A_535 = arith.constant 0 : i32
      %dma_start3A_536 = tpu.memref_slice %arg2[%dma_start3A_534, %dma_start3A_535] : memref<100000x128xf32, #tpu.memory_space<hbm>> -> memref<100000x128xf32, #tpu.memory_space<hbm>>
      tpu.enqueue_indirect_dma source(%dma_start3A_536 : memref<100000x128xf32, #tpu.memory_space<hbm>>) target(%arg13 : memref<128x128xf32, #tpu.memory_space<vmem>>) offsets(%dma_start3A_533 : memref<128xi32, #tpu.memory_space<vmem>>) semaphore(%arg21 : memref<!tpu.dma_semaphore, #tpu.memory_space<semaphore_mem>>)
      %add3A_537 = arith.constant 5 : i32
      %add3A_538 = arith.addi %select_n3A, %add3A_537 : i32
      %sub3A_539 = arith.constant 2 : i32
      %sub3A_540 = arith.subi %add3A_538, %sub3A_539 : i32
      %dma_wait3A_541 = arith.constant 0 : i32
      %dma_wait3A_542 = tpu.memref_slice %arg6[%sub3A_540, %dma_wait3A_541] : memref<32x72xi32, #tpu.memory_space<vmem>> -> memref<1x72xi32, #tpu.memory_space<vmem>>
      %dma_wait3A_543 = tpu.memref_squeeze %dma_wait3A_542 : memref<1x72xi32, #tpu.memory_space<vmem>> -> memref<72xi32, #tpu.memory_space<vmem>>
      %dma_wait3A_544 = arith.constant 0 : i32
      %dma_wait3A_545 = arith.constant 0 : i32
      %dma_wait3A_546 = tpu.memref_slice %arg2[%dma_wait3A_544, %dma_wait3A_545] : memref<100000x128xf32, #tpu.memory_space<hbm>> -> memref<100000x128xf32, #tpu.memory_space<hbm>>
      tpu.wait_indirect_dma semaphore(%arg18 : memref<!tpu.dma_semaphore, #tpu.memory_space<semaphore_mem>>) src(%dma_wait3A_546 : memref<100000x128xf32, #tpu.memory_space<hbm>>) dst(%arg10 : memref<72x128xf32, #tpu.memory_space<vmem>>)
      %mul3A_547 = arith.constant 200 : i32
      %mul3A_548 = arith.muli %sub3A_540, %mul3A_547 : i32
      %add3A_549 = arith.addi %mul3A_2, %mul3A_548 : i32
      %add3A_550 = arith.constant 128 : i32
      %add3A_551 = arith.addi %add3A_549, %add3A_550 : i32
      %dma_start3A_552 = arith.constant 0 : i32
      %dma_start3A_553 = tpu.memref_slice %arg4[%add3A_551, %dma_start3A_552] : memref<204800x128xf32, #tpu.memory_space<hbm>> -> memref<72x128xf32, #tpu.memory_space<hbm>>
      %dma_start3A_554 = arith.constant 0 : i32
      %dma_start3A_555 = tpu.memref_slice %arg4[%add3A_551, %dma_start3A_554] : memref<204800x128xf32, #tpu.memory_space<hbm>> -> memref<72x128xf32, #tpu.memory_space<hbm>>
      tpu.enqueue_dma source(%arg10 : memref<72x128xf32, #tpu.memory_space<vmem>>) target(%dma_start3A_555 : memref<72x128xf32, #tpu.memory_space<hbm>>) target_semaphore(%arg26 : memref<!tpu.dma_semaphore, #tpu.memory_space<semaphore_mem>>)
      %add3A_556 = arith.constant -2 : i32
      %add3A_557 = arith.addi %sub3A_540, %add3A_556 : i32
      %mul3A_558 = arith.constant 200 : i32
      %mul3A_559 = arith.muli %add3A_557, %mul3A_558 : i32
      %add3A_560 = arith.addi %mul3A_2, %mul3A_559 : i32
      %add3A_561 = arith.constant 128 : i32
      %add3A_562 = arith.addi %add3A_560, %add3A_561 : i32
      %dma_wait3A_563 = arith.constant 0 : i32
      %dma_wait3A_564 = tpu.memref_slice %arg4[%add3A_562, %dma_wait3A_563] : memref<204800x128xf32, #tpu.memory_space<hbm>> -> memref<72x128xf32, #tpu.memory_space<hbm>>
      %dma_wait3A_565 = arith.constant 0 : i32
      %dma_wait3A_566 = tpu.memref_slice %arg4[%add3A_562, %dma_wait3A_565] : memref<204800x128xf32, #tpu.memory_space<hbm>> -> memref<72x128xf32, #tpu.memory_space<hbm>>
      tpu.wait_dma2 semaphore(%arg30 : memref<!tpu.dma_semaphore, #tpu.memory_space<semaphore_mem>>) src(%arg14 : memref<72x128xf32, #tpu.memory_space<vmem>>) dst(%dma_wait3A_566 : memref<72x128xf32, #tpu.memory_space<hbm>>)
      %add3A_567 = arith.constant 2 : i32
      %add3A_568 = arith.addi %sub3A_540, %add3A_567 : i32
      %dma_start3A_569 = arith.constant 0 : i32
      %dma_start3A_570 = tpu.memref_slice %arg6[%add3A_568, %dma_start3A_569] : memref<32x72xi32, #tpu.memory_space<vmem>> -> memref<1x72xi32, #tpu.memory_space<vmem>>
      %dma_start3A_571 = tpu.memref_squeeze %dma_start3A_570 : memref<1x72xi32, #tpu.memory_space<vmem>> -> memref<72xi32, #tpu.memory_space<vmem>>
      %dma_start3A_572 = arith.constant 0 : i32
      %dma_start3A_573 = arith.constant 0 : i32
      %dma_start3A_574 = tpu.memref_slice %arg2[%dma_start3A_572, %dma_start3A_573] : memref<100000x128xf32, #tpu.memory_space<hbm>> -> memref<100000x128xf32, #tpu.memory_space<hbm>>
      tpu.enqueue_indirect_dma source(%dma_start3A_574 : memref<100000x128xf32, #tpu.memory_space<hbm>>) target(%arg14 : memref<72x128xf32, #tpu.memory_space<vmem>>) offsets(%dma_start3A_571 : memref<72xi32, #tpu.memory_space<vmem>>) semaphore(%arg22 : memref<!tpu.dma_semaphore, #tpu.memory_space<semaphore_mem>>)
    }
    %scan3A_125 = arith.constant 7 : i32
    %dma_wait3A_126 = arith.constant 30 : i32
    %dma_wait3A_127 = arith.constant 0 : i32
    %dma_wait3A_128 = tpu.memref_slice %arg5[%dma_wait3A_126, %dma_wait3A_127] : memref<32x128xi32, #tpu.memory_space<vmem>> -> memref<1x128xi32, #tpu.memory_space<vmem>>
    %dma_wait3A_129 = tpu.memref_squeeze %dma_wait3A_128 : memref<1x128xi32, #tpu.memory_space<vmem>> -> memref<128xi32, #tpu.memory_space<vmem>>
    %dma_wait3A_130 = arith.constant 0 : i32
    %dma_wait3A_131 = arith.constant 0 : i32
    %dma_wait3A_132 = tpu.memref_slice %arg2[%dma_wait3A_130, %dma_wait3A_131] : memref<100000x128xf32, #tpu.memory_space<hbm>> -> memref<100000x128xf32, #tpu.memory_space<hbm>>
    tpu.wait_indirect_dma semaphore(%arg19 : memref<!tpu.dma_semaphore, #tpu.memory_space<semaphore_mem>>) src(%dma_wait3A_132 : memref<100000x128xf32, #tpu.memory_space<hbm>>) dst(%arg11 : memref<128x128xf32, #tpu.memory_space<vmem>>)
    %add3A_133 = arith.constant 6000 : i32
    %add3A_134 = arith.addi %mul3A_2, %add3A_133 : i32
    %add3A_135 = arith.constant 0 : i32
    %add3A_136 = arith.addi %add3A_134, %add3A_135 : i32
    %dma_start3A_137 = arith.constant 0 : i32
    %dma_start3A_138 = tpu.memref_slice %arg4[%add3A_136, %dma_start3A_137] : memref<204800x128xf32, #tpu.memory_space<hbm>> -> memref<128x128xf32, #tpu.memory_space<hbm>>
    %dma_start3A_139 = arith.constant 0 : i32
    %dma_start3A_140 = tpu.memref_slice %arg4[%add3A_136, %dma_start3A_139] : memref<204800x128xf32, #tpu.memory_space<hbm>> -> memref<128x128xf32, #tpu.memory_space<hbm>>
    tpu.enqueue_dma source(%arg11 : memref<128x128xf32, #tpu.memory_space<vmem>>) target(%dma_start3A_140 : memref<128x128xf32, #tpu.memory_space<hbm>>) target_semaphore(%arg27 : memref<!tpu.dma_semaphore, #tpu.memory_space<semaphore_mem>>)
    %dma_wait3A_141 = arith.constant 30 : i32
    %dma_wait3A_142 = arith.constant 0 : i32
    %dma_wait3A_143 = tpu.memref_slice %arg6[%dma_wait3A_141, %dma_wait3A_142] : memref<32x72xi32, #tpu.memory_space<vmem>> -> memref<1x72xi32, #tpu.memory_space<vmem>>
    %dma_wait3A_144 = tpu.memref_squeeze %dma_wait3A_143 : memref<1x72xi32, #tpu.memory_space<vmem>> -> memref<72xi32, #tpu.memory_space<vmem>>
    %dma_wait3A_145 = arith.constant 0 : i32
    %dma_wait3A_146 = arith.constant 0 : i32
    %dma_wait3A_147 = tpu.memref_slice %arg2[%dma_wait3A_145, %dma_wait3A_146] : memref<100000x128xf32, #tpu.memory_space<hbm>> -> memref<100000x128xf32, #tpu.memory_space<hbm>>
    tpu.wait_indirect_dma semaphore(%arg20 : memref<!tpu.dma_semaphore, #tpu.memory_space<semaphore_mem>>) src(%dma_wait3A_147 : memref<100000x128xf32, #tpu.memory_space<hbm>>) dst(%arg12 : memref<72x128xf32, #tpu.memory_space<vmem>>)
    %add3A_148 = arith.constant 6000 : i32
    %add3A_149 = arith.addi %mul3A_2, %add3A_148 : i32
    %add3A_150 = arith.constant 128 : i32
    %add3A_151 = arith.addi %add3A_149, %add3A_150 : i32
    %dma_start3A_152 = arith.constant 0 : i32
    %dma_start3A_153 = tpu.memref_slice %arg4[%add3A_151, %dma_start3A_152] : memref<204800x128xf32, #tpu.memory_space<hbm>> -> memref<72x128xf32, #tpu.memory_space<hbm>>
    %dma_start3A_154 = arith.constant 0 : i32
    %dma_start3A_155 = tpu.memref_slice %arg4[%add3A_151, %dma_start3A_154] : memref<204800x128xf32, #tpu.memory_space<hbm>> -> memref<72x128xf32, #tpu.memory_space<hbm>>
    tpu.enqueue_dma source(%arg12 : memref<72x128xf32, #tpu.memory_space<vmem>>) target(%dma_start3A_155 : memref<72x128xf32, #tpu.memory_space<hbm>>) target_semaphore(%arg28 : memref<!tpu.dma_semaphore, #tpu.memory_space<semaphore_mem>>)
    %dma_wait3A_156 = arith.constant 31 : i32
    %dma_wait3A_157 = arith.constant 0 : i32
    %dma_wait3A_158 = tpu.memref_slice %arg5[%dma_wait3A_156, %dma_wait3A_157] : memref<32x128xi32, #tpu.memory_space<vmem>> -> memref<1x128xi32, #tpu.memory_space<vmem>>
    %dma_wait3A_159 = tpu.memref_squeeze %dma_wait3A_158 : memref<1x128xi32, #tpu.memory_space<vmem>> -> memref<128xi32, #tpu.memory_space<vmem>>
    %dma_wait3A_160 = arith.constant 0 : i32
    %dma_wait3A_161 = arith.constant 0 : i32
    %dma_wait3A_162 = tpu.memref_slice %arg2[%dma_wait3A_160, %dma_wait3A_161] : memref<100000x128xf32, #tpu.memory_space<hbm>> -> memref<100000x128xf32, #tpu.memory_space<hbm>>
    tpu.wait_indirect_dma semaphore(%arg21 : memref<!tpu.dma_semaphore, #tpu.memory_space<semaphore_mem>>) src(%dma_wait3A_162 : memref<100000x128xf32, #tpu.memory_space<hbm>>) dst(%arg13 : memref<128x128xf32, #tpu.memory_space<vmem>>)
    %add3A_163 = arith.constant 6200 : i32
    %add3A_164 = arith.addi %mul3A_2, %add3A_163 : i32
    %add3A_165 = arith.constant 0 : i32
    %add3A_166 = arith.addi %add3A_164, %add3A_165 : i32
    %dma_start3A_167 = arith.constant 0 : i32
    %dma_start3A_168 = tpu.memref_slice %arg4[%add3A_166, %dma_start3A_167] : memref<204800x128xf32, #tpu.memory_space<hbm>> -> memref<128x128xf32, #tpu.memory_space<hbm>>
    %dma_start3A_169 = arith.constant 0 : i32
    %dma_start3A_170 = tpu.memref_slice %arg4[%add3A_166, %dma_start3A_169] : memref<204800x128xf32, #tpu.memory_space<hbm>> -> memref<128x128xf32, #tpu.memory_space<hbm>>
    tpu.enqueue_dma source(%arg13 : memref<128x128xf32, #tpu.memory_space<vmem>>) target(%dma_start3A_170 : memref<128x128xf32, #tpu.memory_space<hbm>>) target_semaphore(%arg29 : memref<!tpu.dma_semaphore, #tpu.memory_space<semaphore_mem>>)
    %dma_wait3A_171 = arith.constant 31 : i32
    %dma_wait3A_172 = arith.constant 0 : i32
    %dma_wait3A_173 = tpu.memref_slice %arg6[%dma_wait3A_171, %dma_wait3A_172] : memref<32x72xi32, #tpu.memory_space<vmem>> -> memref<1x72xi32, #tpu.memory_space<vmem>>
    %dma_wait3A_174 = tpu.memref_squeeze %dma_wait3A_173 : memref<1x72xi32, #tpu.memory_space<vmem>> -> memref<72xi32, #tpu.memory_space<vmem>>
    %dma_wait3A_175 = arith.constant 0 : i32
    %dma_wait3A_176 = arith.constant 0 : i32
    %dma_wait3A_177 = tpu.memref_slice %arg2[%dma_wait3A_175, %dma_wait3A_176] : memref<100000x128xf32, #tpu.memory_space<hbm>> -> memref<100000x128xf32, #tpu.memory_space<hbm>>
    tpu.wait_indirect_dma semaphore(%arg22 : memref<!tpu.dma_semaphore, #tpu.memory_space<semaphore_mem>>) src(%dma_wait3A_177 : memref<100000x128xf32, #tpu.memory_space<hbm>>) dst(%arg14 : memref<72x128xf32, #tpu.memory_space<vmem>>)
    %add3A_178 = arith.constant 6200 : i32
    %add3A_179 = arith.addi %mul3A_2, %add3A_178 : i32
    %add3A_180 = arith.constant 128 : i32
    %add3A_181 = arith.addi %add3A_179, %add3A_180 : i32
    %dma_start3A_182 = arith.constant 0 : i32
    %dma_start3A_183 = tpu.memref_slice %arg4[%add3A_181, %dma_start3A_182] : memref<204800x128xf32, #tpu.memory_space<hbm>> -> memref<72x128xf32, #tpu.memory_space<hbm>>
    %dma_start3A_184 = arith.constant 0 : i32
    %dma_start3A_185 = tpu.memref_slice %arg4[%add3A_181, %dma_start3A_184] : memref<204800x128xf32, #tpu.memory_space<hbm>> -> memref<72x128xf32, #tpu.memory_space<hbm>>
    tpu.enqueue_dma source(%arg14 : memref<72x128xf32, #tpu.memory_space<vmem>>) target(%dma_start3A_185 : memref<72x128xf32, #tpu.memory_space<hbm>>) target_semaphore(%arg30 : memref<!tpu.dma_semaphore, #tpu.memory_space<semaphore_mem>>)
    %add3A_186 = arith.constant 5600 : i32
    %add3A_187 = arith.addi %mul3A_2, %add3A_186 : i32
    %add3A_188 = arith.constant 0 : i32
    %add3A_189 = arith.addi %add3A_187, %add3A_188 : i32
    %dma_wait3A_190 = arith.constant 0 : i32
    %dma_wait3A_191 = tpu.memref_slice %arg4[%add3A_189, %dma_wait3A_190] : memref<204800x128xf32, #tpu.memory_space<hbm>> -> memref<128x128xf32, #tpu.memory_space<hbm>>
    %dma_wait3A_192 = arith.constant 0 : i32
    %dma_wait3A_193 = tpu.memref_slice %arg4[%add3A_189, %dma_wait3A_192] : memref<204800x128xf32, #tpu.memory_space<hbm>> -> memref<128x128xf32, #tpu.memory_space<hbm>>
    tpu.wait_dma2 semaphore(%arg23 : memref<!tpu.dma_semaphore, #tpu.memory_space<semaphore_mem>>) src(%arg7 : memref<128x128xf32, #tpu.memory_space<vmem>>) dst(%dma_wait3A_193 : memref<128x128xf32, #tpu.memory_space<hbm>>)
    %add3A_194 = arith.constant 5600 : i32
    %add3A_195 = arith.addi %mul3A_2, %add3A_194 : i32
    %add3A_196 = arith.constant 128 : i32
    %add3A_197 = arith.addi %add3A_195, %add3A_196 : i32
    %dma_wait3A_198 = arith.constant 0 : i32
    %dma_wait3A_199 = tpu.memref_slice %arg4[%add3A_197, %dma_wait3A_198] : memref<204800x128xf32, #tpu.memory_space<hbm>> -> memref<72x128xf32, #tpu.memory_space<hbm>>
    %dma_wait3A_200 = arith.constant 0 : i32
    %dma_wait3A_201 = tpu.memref_slice %arg4[%add3A_197, %dma_wait3A_200] : memref<204800x128xf32, #tpu.memory_space<hbm>> -> memref<72x128xf32, #tpu.memory_space<hbm>>
    tpu.wait_dma2 semaphore(%arg24 : memref<!tpu.dma_semaphore, #tpu.memory_space<semaphore_mem>>) src(%arg8 : memref<72x128xf32, #tpu.memory_space<vmem>>) dst(%dma_wait3A_201 : memref<72x128xf32, #tpu.memory_space<hbm>>)
    %add3A_202 = arith.constant 5800 : i32
    %add3A_203 = arith.addi %mul3A_2, %add3A_202 : i32
    %add3A_204 = arith.constant 0 : i32
    %add3A_205 = arith.addi %add3A_203, %add3A_204 : i32
    %dma_wait3A_206 = arith.constant 0 : i32
    %dma_wait3A_207 = tpu.memref_slice %arg4[%add3A_205, %dma_wait3A_206] : memref<204800x128xf32, #tpu.memory_space<hbm>> -> memref<128x128xf32, #tpu.memory_space<hbm>>
    %dma_wait3A_208 = arith.constant 0 : i32
    %dma_wait3A_209 = tpu.memref_slice %arg4[%add3A_205, %dma_wait3A_208] : memref<204800x128xf32, #tpu.memory_space<hbm>> -> memref<128x128xf32, #tpu.memory_space<hbm>>
    tpu.wait_dma2 semaphore(%arg25 : memref<!tpu.dma_semaphore, #tpu.memory_space<semaphore_mem>>) src(%arg9 : memref<128x128xf32, #tpu.memory_space<vmem>>) dst(%dma_wait3A_209 : memref<128x128xf32, #tpu.memory_space<hbm>>)
    %add3A_210 = arith.constant 5800 : i32
    %add3A_211 = arith.addi %mul3A_2, %add3A_210 : i32
    %add3A_212 = arith.constant 128 : i32
    %add3A_213 = arith.addi %add3A_211, %add3A_212 : i32
    %dma_wait3A_214 = arith.constant 0 : i32
    %dma_wait3A_215 = tpu.memref_slice %arg4[%add3A_213, %dma_wait3A_214] : memref<204800x128xf32, #tpu.memory_space<hbm>> -> memref<72x128xf32, #tpu.memory_space<hbm>>
    %dma_wait3A_216 = arith.constant 0 : i32
    %dma_wait3A_217 = tpu.memref_slice %arg4[%add3A_213, %dma_wait3A_216] : memref<204800x128xf32, #tpu.memory_space<hbm>> -> memref<72x128xf32, #tpu.memory_space<hbm>>
    tpu.wait_dma2 semaphore(%arg26 : memref<!tpu.dma_semaphore, #tpu.memory_space<semaphore_mem>>) src(%arg10 : memref<72x128xf32, #tpu.memory_space<vmem>>) dst(%dma_wait3A_217 : memref<72x128xf32, #tpu.memory_space<hbm>>)
    %add3A_218 = arith.constant 6000 : i32
    %add3A_219 = arith.addi %mul3A_2, %add3A_218 : i32
    %add3A_220 = arith.constant 0 : i32
    %add3A_221 = arith.addi %add3A_219, %add3A_220 : i32
    %dma_wait3A_222 = arith.constant 0 : i32
    %dma_wait3A_223 = tpu.memref_slice %arg4[%add3A_221, %dma_wait3A_222] : memref<204800x128xf32, #tpu.memory_space<hbm>> -> memref<128x128xf32, #tpu.memory_space<hbm>>
    %dma_wait3A_224 = arith.constant 0 : i32
    %dma_wait3A_225 = tpu.memref_slice %arg4[%add3A_221, %dma_wait3A_224] : memref<204800x128xf32, #tpu.memory_space<hbm>> -> memref<128x128xf32, #tpu.memory_space<hbm>>
    tpu.wait_dma2 semaphore(%arg27 : memref<!tpu.dma_semaphore, #tpu.memory_space<semaphore_mem>>) src(%arg11 : memref<128x128xf32, #tpu.memory_space<vmem>>) dst(%dma_wait3A_225 : memref<128x128xf32, #tpu.memory_space<hbm>>)
    %add3A_226 = arith.constant 6000 : i32
    %add3A_227 = arith.addi %mul3A_2, %add3A_226 : i32
    %add3A_228 = arith.constant 128 : i32
    %add3A_229 = arith.addi %add3A_227, %add3A_228 : i32
    %dma_wait3A_230 = arith.constant 0 : i32
    %dma_wait3A_231 = tpu.memref_slice %arg4[%add3A_229, %dma_wait3A_230] : memref<204800x128xf32, #tpu.memory_space<hbm>> -> memref<72x128xf32, #tpu.memory_space<hbm>>
    %dma_wait3A_232 = arith.constant 0 : i32
    %dma_wait3A_233 = tpu.memref_slice %arg4[%add3A_229, %dma_wait3A_232] : memref<204800x128xf32, #tpu.memory_space<hbm>> -> memref<72x128xf32, #tpu.memory_space<hbm>>
    tpu.wait_dma2 semaphore(%arg28 : memref<!tpu.dma_semaphore, #tpu.memory_space<semaphore_mem>>) src(%arg12 : memref<72x128xf32, #tpu.memory_space<vmem>>) dst(%dma_wait3A_233 : memref<72x128xf32, #tpu.memory_space<hbm>>)
    %add3A_234 = arith.constant 6200 : i32
    %add3A_235 = arith.addi %mul3A_2, %add3A_234 : i32
    %add3A_236 = arith.constant 0 : i32
    %add3A_237 = arith.addi %add3A_235, %add3A_236 : i32
    %dma_wait3A_238 = arith.constant 0 : i32
    %dma_wait3A_239 = tpu.memref_slice %arg4[%add3A_237, %dma_wait3A_238] : memref<204800x128xf32, #tpu.memory_space<hbm>> -> memref<128x128xf32, #tpu.memory_space<hbm>>
    %dma_wait3A_240 = arith.constant 0 : i32
    %dma_wait3A_241 = tpu.memref_slice %arg4[%add3A_237, %dma_wait3A_240] : memref<204800x128xf32, #tpu.memory_space<hbm>> -> memref<128x128xf32, #tpu.memory_space<hbm>>
    tpu.wait_dma2 semaphore(%arg29 : memref<!tpu.dma_semaphore, #tpu.memory_space<semaphore_mem>>) src(%arg13 : memref<128x128xf32, #tpu.memory_space<vmem>>) dst(%dma_wait3A_241 : memref<128x128xf32, #tpu.memory_space<hbm>>)
    %add3A_242 = arith.constant 6200 : i32
    %add3A_243 = arith.addi %mul3A_2, %add3A_242 : i32
    %add3A_244 = arith.constant 128 : i32
    %add3A_245 = arith.addi %add3A_243, %add3A_244 : i32
    %dma_wait3A_246 = arith.constant 0 : i32
    %dma_wait3A_247 = tpu.memref_slice %arg4[%add3A_245, %dma_wait3A_246] : memref<204800x128xf32, #tpu.memory_space<hbm>> -> memref<72x128xf32, #tpu.memory_space<hbm>>
    %dma_wait3A_248 = arith.constant 0 : i32
    %dma_wait3A_249 = tpu.memref_slice %arg4[%add3A_245, %dma_wait3A_248] : memref<204800x128xf32, #tpu.memory_space<hbm>> -> memref<72x128xf32, #tpu.memory_space<hbm>>
    tpu.wait_dma2 semaphore(%arg30 : memref<!tpu.dma_semaphore, #tpu.memory_space<semaphore_mem>>) src(%arg14 : memref<72x128xf32, #tpu.memory_space<vmem>>) dst(%dma_wait3A_249 : memref<72x128xf32, #tpu.memory_space<hbm>>)
    return
  }
}

</mosaic_0001>

<sc_bundles>
// kernel: kernel.3.cloned.1.call-start
scs
__scs_entry_jumppad:
0x0: {  	(pc) =	sbr.rel $0x88, $3  }
0x1: {  	(tag) =	ssettag $0x0;
	lr =	simm.s32 $0x1  }
0x2: {  	[smem:$0x3F9F] =	sst lr;
	_ =	strace $0xD0000000  }
0x3: {  	_ = 	snop  }
0x4: {  	_ = 	snop  }
0x5: {  	_ = 	snop  }
0x6: {  	_ = 	snop  }
0x7: {  	_ = 	snop  }
__scs_overlays_trampoline_lowered:
0x8: {  	[smem:$0x3FAE] =	sst s0  }
0x9: {  	[smem:$0x3FAF] =	sst s1  }
0xa: {  	[smem:$0x3FB0] =	sst s2  }
0xb: {  	[smem:$0x3FB1] =	sst s3  }
0xc: {  	[smem:$0x3FB2] =	sst s4  }
0xd: {  	[smem:$0x3FB3] =	sst s5  }
0xe: {  	[smem:$0x3FB4] =	sst s6  }
0xf: {  	[smem:$0x3FB5] =	sst s7  }
0x10: {  	[smem:$0x3FB6] =	sst s8  }
0x11: {  	[smem:$0x3FB7] =	sst s9;
	s0 =	simm.s32 @!p0 $0x0  }
0x12: {  	s1 =	sld [smem:$0x3F9D];
	s0 =	simm.s32 @p0 $0x1  }
0x13: {  	[smem:$0x3FB8] =	sst s0;
	s0 =	simm.s32 @!p1 $0x0  }
0x14: {  	s2 =	sld [smem:$0x3F9C];
	s0 =	simm.s32 @p1 $0x1  }
0x15: {  	[smem:$0x3FB9] =	sst s0;
	s0 =	simm.s32 @!p2 $0x0  }
0x16: {  	s3 =	sld [smem:$0x3FDB];
	s0 =	simm.s32 @p2 $0x1  }
0x17: {  	s4 =	simm.s32 $0x1BF5;
	[smem:$0x3FBB] =	sst s0  }
0x18: {  	s0 =	sld [smem:$0x3F9E];
	_ =	swait.ge [sflag:s4], $0x0  }
0x19: {  	s7 =	sld [smem:$0x3F9F]  }
0x1a: {  	s8 =	sadd.s32 $0xFFFFE003, lr  }
0x1b: {  	s9 =	sadd.s32 $0xFFFFFEF7, lr;
	s5 =	simm.s32 $0xFFFFFFFF;
	p2 =	slt.u32 s8, $0xFFFFF086  }
0x1c: {  	p1 =	slt.u32 s9, $0xF7A;
	s5 =	simm.s32 @!p2 $0x0  }
0x1d: {  	s5 =	simm.s32 @p1 $0x1;
	p0 =	seq.s32 s7, s2  }
0x1e: {  	s7 =	smul.u32 @!p0 $0xF7A, s2;
	p2 =	seq.s32 @!p0 s5, $0x0  }
0x1f: {  	s9 =	smul.u32 $0xF7A, s1;
	s8 =	simm.s32 @!p0 $0x1BF5;
	p2 =	por !p2, p0  }
0x20: {  	[sflag:s8] =	ssyncset.s32 @!p0 $0xFFFFF086;
	s6 =	sadd.s32 @!p0 s3, s7;
	s7 =	simm.s32 @!p0 $0x108  }
0x21: {  	s3 =	sadd.s32 s3, s9;
	s6 =	sadd.s32 @!p0 $0x88, s6;
	s7 =	simm.s32 @p2 $0x1082  }
0x22: {  	[simem:s7], [sflag:s8] =	dma.local @!p0 [hbm:s6], $0xF7A  }
0x23: {  	s9 =	sor.u32 $0xD0000000, s2;
	s6 =	simm.s32 $0x108;
	_ =	swait.ge @!p0 [sflag:s8], $0x0  }
0x24: {  	s3 =	sadd.s32 $0x88, s3;
	s6 =	simm.s32 @!p1 $0x1082;
	[sflag:s4] =	ssyncset.s32 $0xFFFFF086  }
0x25: {  	[simem:s6], [sflag:s4] =	dma.local [hbm:s3], $0xF7A  }
0x26: {  	[smem:$0x3F9F] =	sst s1;
	(tag) =	ssettag s2;
	_ =	strace s9  }
0x27: {  	s1 =	sld [smem:$0x3FAF]  }
0x28: {  	s2 =	sld [smem:$0x3FB0]  }
0x29: {  	s4 =	sld [smem:$0x3FB2]  }
0x2a: {  	p0 =	seq.s32 s5, $0x0;
	s5 =	sld [smem:$0x3FB3]  }
0x2b: {  	s6 =	sld [smem:$0x3FB4]  }
0x2c: {  	s7 =	sld [smem:$0x3FB5]  }
0x2d: {  	s3 =	simm.s32 $0x108;
	s8 =	sld [smem:$0x3FB6]  }
0x2e: {  	s3 =	simm.s32 @!p0 $0x1082;
	s9 =	sld [smem:$0x3FB7]  }
0x2f: {  	lr =	sadd.s32 s0, s3;
	s0 =	sld [smem:$0x3FAE]  }
0x30: {  	s3 =	sld [smem:$0x3FB1]  }
0x31: {  	[smem:$0x3FBA] =	sst s10  }
0x32: {  	s10 =	sld [smem:$0x3FB8];
	_ =	sdelay $0x3  }
0x33: {  	p0 =	seq.s32 s10, $0x1;
	s10 =	sld [smem:$0x3FBA];
	_ =	sdelay $0x3  }
0x34: {  	[smem:$0x3FBA] =	sst s10  }
0x35: {  	s10 =	sld [smem:$0x3FB9];
	_ =	sdelay $0x3  }
0x36: {  	p1 =	seq.s32 s10, $0x1;
	s10 =	sld [smem:$0x3FBA];
	_ =	sdelay $0x3  }
0x37: {  	[smem:$0x3FBA] =	sst s10  }
0x38: {  	s10 =	sld [smem:$0x3FBB]  }
0x39: {  	_ = 	snop;
	(pc) =	sbr.ind lr, $3  }
0x3a: {  	_ = 	snop  }
0x3b: {  	_ = 	snop  }
0x3c: {  	p2 =	seq.s32 s10, $0x1;
	s10 =	sld [smem:$0x3FBA]  }
0x3d: {  	_ =	shalt  }
0x3e: {  	_ =	shalt  }
0x3f: {  	_ =	shalt  }
0x40: {  	_ =	shalt  }
0x41: {  	_ =	shalt  }
0x42: {  	_ =	shalt  }
0x43: {  	_ =	shalt  }
0x44: {  	_ =	shalt  }
0x45: {  	_ =	shalt  }
0x46: {  	_ =	shalt  }
0x47: {  	_ =	shalt  }
0x48: {  	_ =	shalt  }
0x49: {  	_ =	shalt  }
0x4a: {  	_ =	shalt  }
0x4b: {  	_ =	shalt  }
0x4c: {  	_ =	shalt  }
0x4d: {  	_ =	shalt  }
0x4e: {  	_ =	shalt  }
0x4f: {  	_ =	shalt  }
0x50: {  	_ =	shalt  }
0x51: {  	_ =	shalt  }
0x52: {  	_ =	shalt  }
0x53: {  	_ =	shalt  }
0x54: {  	_ =	shalt  }
0x55: {  	_ =	shalt  }
0x56: {  	_ =	shalt  }
0x57: {  	_ =	shalt  }
0x58: {  	_ =	shalt  }
0x59: {  	_ =	shalt  }
0x5a: {  	_ =	shalt  }
0x5b: {  	_ =	shalt  }
0x5c: {  	_ =	shalt  }
0x5d: {  	_ =	shalt  }
0x5e: {  	_ =	shalt  }
0x5f: {  	_ =	shalt  }
0x60: {  	_ =	shalt  }
0x61: {  	_ =	shalt  }
0x62: {  	_ =	shalt  }
0x63: {  	_ =	shalt  }
0x64: {  	_ =	shalt  }
0x65: {  	_ =	shalt  }
0x66: {  	_ =	shalt  }
0x67: {  	_ =	shalt  }
0x68: {  	_ =	shalt  }
0x69: {  	_ =	shalt  }
0x6a: {  	_ =	shalt  }
0x6b: {  	_ =	shalt  }
0x6c: {  	_ =	shalt  }
0x6d: {  	_ =	shalt  }
0x6e: {  	_ =	shalt  }
0x6f: {  	_ =	shalt  }
0x70: {  	_ =	shalt  }
0x71: {  	_ =	shalt  }
0x72: {  	_ =	shalt  }
0x73: {  	_ =	shalt  }
0x74: {  	_ =	shalt  }
0x75: {  	_ =	shalt  }
0x76: {  	_ =	shalt  }
0x77: {  	_ =	shalt  }
0x78: {  	_ =	shalt  }
0x79: {  	_ =	shalt  }
0x7a: {  	_ =	shalt  }
0x7b: {  	_ =	shalt  }
0x7c: {  	_ =	shalt  }
0x7d: {  	_ =	shalt  }
0x7e: {  	_ =	shalt  }
0x7f: {  	_ =	shalt  }
0x80: {  	_ =	shalt  }
0x81: {  	_ =	shalt  }
0x82: {  	_ =	shalt  }
0x83: {  	_ =	shalt  }
0x84: {  	_ =	shalt  }
0x85: {  	_ =	shalt  }
0x86: {  	_ =	shalt  }
0x87: {  	_ =	shalt  }
.Lfunc_end0:
.L_simem_size_0:
called_computation_lowered:
.L_overlay_start_0:
0x88: {  	s2 =	sld [smem:$0x3FD9]  }
0x89: {  	s3 =	sld [smem:$0x3FFE];
	_ =	sdelay $0x1  }
0x8a: {  	s1 =	srdreg.scid  }
0x8b: {  	s0 =	sand.u32 $0x1, s1  }
0x8c: {  	s17 =	sshll.u32 s0, $0xA;
	s2 =	sadd.s32 s3, s2  }
0x8d: {  	s2 =	sadd.s32 s2, s17  }
0x8e: {  	[smem:$0x3FC6] =	sst s2  }
0x8f: {  	_ = 	snop  }
0x90: {  	s2 =	sld [smem:$0x3FC8]  }
0x91: {  	s18 =	sld [smem:$0x3FD0];
	(tm) =	ssettm $0x1  }
0x92: {  	s4 =	sld [smem:$0x3FFB];
	_ =	sdelay $0x3  }
0x93: {  	_ =	strace s4  }
0x94: {  	s4 =	sld [smem:$0x3FFC];
	_ =	sdelay $0x3  }
0x95: {  	_ =	strace s4  }
0x96: {  	s4 =	sld [smem:$0x3FFD];
	_ =	sdelay $0x3  }
0x97: {  	_ =	strace s4  }
0x98: {  	_ =	strace $0x8FFFFFFF  }
0x99: {  	s19 =	sld [smem:$0x3FDB];
	_ =	sdelay $0x1  }
0x9a: {  	s5 =	simm.s32 $_scs_section_size  }
0x9b: {  	s6 =	simm.s32 $_size__tile_overlayer_lowered;
	s7 =	simm.s32 $_tile_overlayer_lowered  }
0x9c: {  	s22 =	simm.s32 $0x1BFF;
	s21 =	sshll.u32 s7, $0x1;
	s4 =	sadd.s32 s5, s19  }
0x9d: {  	s8 =	simm.s32 $0x0;
	s20 =	sshll.u32 s6, $0x1;
	s6 =	sadd.s32 s21, s4  }
0x9e: {  	[timem:s8], [sflag:s22] =	dma.local [hbm:s6], s20  }
0x9f: {  	_ =	swait.ge [sflag:s22], s20  }
0xa0: {  	s5 =	ssub.s32 $0x0, s20;
	[sflag:s22] =	ssyncset.done $0x0  }
0xa1: {  	[sflag:s22] =	ssyncadd.s32 s5;
	_ =	sdelay $0x1  }
0xa2: {  	s23 =	simm.s32 $0x1B8B  }
0xa3: {  	_ =	swait.ge [sflag:s23], $0x1  }
0xa4: {  	[sflag:s23] =	ssyncset.done $0x0  }
0xa5: {  	s25 =	simm.s32 $0x1B8E;
	s24 =	sld [smem:$0x3FFE];
	[sflag:s23] =	ssyncadd.s32 $0xFFFFFFFF  }
0xa6: {  	s26 =	simm.s32 $execute0_lowered;
	[smem:$0x3FD2] =	sst s25  }
0xa7: {  	s6 =	sshll.u32 s26, $0x1;
	_ =	strace $0x80000046;
	[dreg:$0x1] =	wrdreg $0xFFFFFFFF  }
0xa8: {  	s28 =	simm.s32 $_size_execute0_lowered;
	s4 =	sadd.s32 s4, s6;
	[dreg:$0x0] =	wrdreg $0x0  }
0xa9: {  	s6 =	sshll.u32 s28, $0x1;
	[dreg:$0x2] =	wrdreg s4  }
0xaa: {  	[dreg:$0x3] =	wrdreg s6  }
0xab: {  	[dreg:$0x4] =	wrdreg $0xC0  }
0xac: {  	_ =	task [dreg:s8], $0x5FFFF  }
0xad: {  	[dreg:$0x1] =	wrdreg $0xFFFFFFFF  }
0xae: {  	[dreg:$0x0] =	wrdreg $0x60  }
0xaf: {  	[dreg:$0x2] =	wrdreg s2  }
0xb0: {  	[dreg:$0x3] =	wrdreg s24  }
0xb1: {  	[dreg:$0x4] =	wrdreg s18  }
0xb2: {  	[dreg:$0x5] =	wrdreg $0x9  }
0xb3: {  	_ =	task.clear_ibuf [dreg:s8], $0x6FFFF;
	_ =	strace $0x90000046  }
0xb4: {  	s29 =	simm.s32 $0x9;
	_ =	strace $0x80000048  }
0xb5: {  	_ =	swait.ge [sflag:s29], $0x1  }
0xb6: {  	[sflag:s29] =	ssyncadd.s32 $0xFFFFFFFF  }
0xb7: {  	_ =	strace $0x90000048  }
0xb8: {  	_ =	sfence  }
0xb9: {  	s30 =	sld [smem:$0x0];
	_ =	sdelay $0x2  }
0xba: {  	s31 =	sshll.u32 s1, $0xD;
	s1 =	sshrl.u32 s1, $0x2  }
0xbb: {  	s3 =	sand.u32 $0x4000, s31;
	s1 =	sadd.s32 s1, s30  }
0xbc: {  	s0 =	sor.u32 s3, s0;
	s1 =	sshll.u32 s1, $0x11  }
0xbd: {  	s0 =	sor.u32 s1, s0  }
0xbe: {  	s0 =	sadd.s32 $0x8F2B, s0  }
0xbf: {  	[sflag:s0] =	ssyncadd.remote.s32 $0x1  }
0xc0: {  	_ =	sfence.sel $0xFFFF  }
0xc1: {  	[dreg:$0x0] =	wrdreg $0xFFFFFFFF;
	(pc) =	sbr.abs _section_cstart, $3  }
0xc2: {  	[dreg:$0x1] =	wrdreg $0xFFFFFFFF  }
0xc3: {  	_ =	task.clear_ibuf [dreg:s8], $0x2FFFF;
	_ =	strace $0x9FFFFFFF  }
0xc4: {  	(tm) =	ssettm $0x7FFFFFFF  }
0xc5: {  	_ =	shalt  }
tec
execute0_lowered:
.L_overlay_start_1:
0x0: {  	(tag) =	ssettag $0x1  }
0x1: {  	s1 =	rddreg [dreg:$0x0]  }
0x2: {  	s0 =	rddreg [dreg:$0x1]  }
0x3: {  	s2 =	rddreg [dreg:$0x2];
	s3 =	simm.s32 $0x0  }
0x4: {  	s4 =	srdreg.scid;
	s10 =	stileid.u32;
	s28 =	simm.s32 $0x1  }
0x5: {  	s29 =	simm.s32 $0x3;
	s11 =	simm.s32 $0xB;
	s16 =	simm.s32 $0x8  }
0x6: {  	s12 =	simm.s32 $0xC;
	s17 =	simm.s32 $0xD;
	s13 =	simm.s32 $0xE  }
0x7: {  	s14 =	simm.s32 $0x10;
	s31 =	simm.s32 $0x1;
	[smem:$0x7FF] =	sst s3  }
0x8: {  	s4 =	sand.u32 $0x1, s4;
	s5 =	sshll.u32 s10, $0x1;
	s21 =	smul.u32 $0x32000, s10  }
0x9: {  	s10 =	simm.s32 $0x7;
	_ =	strace $0x80000047;
	s5 =	sor.u32 s4, s5  }
0xa: {  	s6 =	ssub.s32 $0x2, s4;
	s4 =	smul.u32 $0x19000, s4;
	s7 =	sshll.u32 s5, $0xA  }
0xb: {  	s8 =	sshrl.u32 s6, $0x1;
	s9 =	smul.u32 $0x19000, s5;
	s0 =	sadd.s32 s7, s0  }
0xc: {  	s5 =	smul.u32 $0xC8000, s5;
	s6 =	ssub.s32 s6, s8;
	s7 =	sadd.s32 $0x400, s0  }
0xd: {  	s8 =	simm.s32 $0x6;
	s0 =	sadd.s32 $0x480, s0;
	[dreg:$0x4] =	wrdreg s7  }
0xe: {  	s18 =	sadd.s32 s2, s9;
	s20 =	sshrl.u32 s5, $0x3;
	[dreg:$0x5] =	wrdreg s0  }
0xf: {  	s26 =	smax.u32 s6, $0x1;
	s5 =	simm.s32 $0x4;
	[dreg:$0x6] =	wrdreg s18  }
0x10: {  	s9 =	simm.s32 $0xA;
	s19 =	sadd.s32 $0x800, s18;
	[dreg:$0xe] =	wrdreg s26  }
0x11: {  	s7 =	sadd.s32 $0xC80, s18;
	s0 =	sadd.s32 s2, s20;
	[dreg:$0x7] =	wrdreg s19  }
0x12: {  	s2 =	sadd.s32 s21, s2;
	[dreg:$0x8] =	wrdreg s7;
	s22 =	sadd.s32 $0x1480, s0  }
0x13: {  	s20 =	simm.s32 $0x80;
	s23 =	sadd.s32 $0x17700, s0;
	[dreg:$0x9] =	wrdreg s22  }
0x14: {  	s24 =	sadd.s32 $0x17F00, s0;
	s25 =	sadd.s32 $0x18380, s0;
	[dreg:$0xa] =	wrdreg s23  }
0x15: {  	s2 =	sadd.s32 s4, s2;
	s0 =	sadd.s32 $0x18B80, s0;
	[dreg:$0xb] =	wrdreg s24  }
0x16: {  	s7 =	simm.s32 $0x9;
	s19 =	simm.s32 $0xF;
	[dreg:$0xc] =	wrdreg s25  }
0x17: {  	[dreg:$0xd] =	wrdreg s0;
	s30 =	sadd.s32 $0x4680, s2;
	s22 =	simm.s32 $0x48  }
0x18: {  	s25 =	simm.s32 $0x2;
	s0 =	simm.s32 $0x0;
	[dreg:$0xf] =	wrdreg s30  }
.LBB2_1:
0x19: {  	[dreg:$0x10] =	wrdreg s0  }
0x1a: {  	s6 =	rddreg [dreg:$0x4]  }
0x1b: {  	s15 =	simm.s32 $0x400;
	s2 =	simm.s32 $0x800;
	s21 =	simm.s32 $0x11  }
0x1c: {  	[tilespmem:s3], [sflag:$0x11] =	stream.strided.gather [hbm4b:s6+s15], $0x1000, s2, s15, $0x38;
	[tilespmem:$0x1B000] =	vst v63  }
0x1d: {  	_ =	swait.ge [sflag:s21], $0x1000  }
0x1e: {  	[sflag:s21] =	ssyncset.done $0x0  }
0x1f: {  	s18 =	simm.s32 $0x1000;
	s4 =	rddreg [dreg:$0x5];
	[sflag:s21] =	ssyncadd.s32 $0xFFFFF000  }
0x20: {  	[tilespmem:s18], [sflag:$0x11] =	stream.strided.gather [hbm4b:s4+s15], $0x1000, s2, s15, $0x38;
	[tilespmem:$0x1B000] =	vst v63  }
0x21: {  	_ =	swait.ge [sflag:s21], $0x1000  }
0x22: {  	[sflag:s21] =	ssyncset.done $0x0  }
0x23: {  	s23 =	simm.s32 $0x2000;
	[sflag:s21] =	ssyncadd.s32 $0xFFFFF000  }
0x24: {  	[tilespmem:s23], [sflag:$0x1] =	stream.indirect.gather [hbm4b:s1+s20], $0x80, s3, s20, $0xb8;
	[tilespmem:$0x1B000] =	vst v63  }
0x25: {  	s24 =	simm.s32 $0x6000  }
0x26: {  	[tilespmem:s24], [sflag:$0x2] =	stream.indirect.gather [hbm4b:s1+s22], $0x80, s18, s22, $0xb8;
	[tilespmem:$0x1B000] =	vst v63  }
0x27: {  	s26 =	simm.s32 $0x8400  }
0x28: {  	[tilespmem:s26], [sflag:$0x3] =	stream.indirect.gather [hbm4b:s1+s20], $0x80, s20, s20, $0xb8;
	[tilespmem:$0x1B000] =	vst v63  }
0x29: {  	s30 =	simm.s32 $0xC400;
	s18 =	simm.s32 $0x1080  }
0x2a: {  	[tilespmem:s30], [sflag:$0x4] =	stream.indirect.gather [hbm4b:s1+s22], $0x80, s18, s22, $0xb8;
	[tilespmem:$0x1B000] =	vst v63  }
0x2b: {  	_ =	swait.ge [sflag:s28], $0x4000  }
0x2c: {  	[sflag:s28] =	ssyncset.done $0x0  }
0x2d: {  	s21 =	rddreg [dreg:$0x6];
	[sflag:s28] =	ssyncadd.s32 $0xFFFFC000  }
0x2e: {  	[hbm4b:s21+s3] =	stream.linear.scatter [tilespmem:s23], [sflag:$0x9], $0x4000, $0x38;
	[tilespmem:$0x1B000] =	vst v63  }
0x2f: {  	s0 =	simm.s32 $0x100;
	s2 =	simm.s32 $0xE800  }
0x30: {  	[tilespmem:s2], [sflag:$0x5] =	stream.indirect.gather [hbm4b:s1+s20], $0x80, s0, s20, $0xb8;
	[tilespmem:$0x1B000] =	vst v63  }
0x31: {  	_ =	swait.ge [sflag:s25], $0x2400  }
0x32: {  	[sflag:s25] =	ssyncset.done $0x0  }
0x33: {  	s4 =	rddreg [dreg:$0x7];
	[sflag:s25] =	ssyncadd.s32 $0xFFFFDC00  }
0x34: {  	[hbm4b:s4+s3] =	stream.linear.scatter [tilespmem:s24], [sflag:$0xA], $0x2400, $0x38;
	[tilespmem:$0x1B000] =	vst v63  }
0x35: {  	s15 =	simm.s32 $0x1100;
	s4 =	simm.s32 $0x12800  }
0x36: {  	[tilespmem:s4], [sflag:$0x6] =	stream.indirect.gather [hbm4b:s1+s22], $0x80, s15, s22, $0xb8;
	[tilespmem:$0x1B000] =	vst v63  }
0x37: {  	_ =	swait.ge [sflag:s29], $0x4000  }
0x38: {  	[sflag:s29] =	ssyncset.done $0x0  }
0x39: {  	s18 =	rddreg [dreg:$0x8];
	[sflag:s29] =	ssyncadd.s32 $0xFFFFC000  }
0x3a: {  	[hbm4b:s18+s3] =	stream.linear.scatter [tilespmem:s26], [sflag:$0xB], $0x4000, $0x38;
	[tilespmem:$0x1B000] =	vst v63  }
0x3b: {  	s21 =	simm.s32 $0x180;
	s15 =	simm.s32 $0x14C00  }
0x3c: {  	[tilespmem:s15], [sflag:$0x7] =	stream.indirect.gather [hbm4b:s1+s20], $0x80, s21, s20, $0xb8;
	[tilespmem:$0x1B000] =	vst v63  }
0x3d: {  	_ =	swait.ge [sflag:s5], $0x2400  }
0x3e: {  	[sflag:s5] =	ssyncset.done $0x0  }
0x3f: {  	s0 =	rddreg [dreg:$0x9];
	[sflag:s5] =	ssyncadd.s32 $0xFFFFDC00  }
0x40: {  	[hbm4b:s0+s3] =	stream.linear.scatter [tilespmem:s30], [sflag:$0xC], $0x2400, $0x38;
	[tilespmem:$0x1B000] =	vst v63  }
0x41: {  	s6 =	simm.s32 $0x1180;
	s18 =	simm.s32 $0x18C00;
	s21 =	simm.s32 $0x5  }
0x42: {  	[tilespmem:s18], [sflag:$0x8] =	stream.indirect.gather [hbm4b:s1+s22], $0x80, s6, s22, $0xb8;
	[tilespmem:$0x1B000] =	vst v63  }
0x43: {  	_ =	swait.ge [sflag:s21], $0x4000  }
0x44: {  	[sflag:s21] =	ssyncset.done $0x0  }
0x45: {  	[sflag:s21] =	ssyncadd.s32 $0xFFFFC000;
	s21 =	rddreg [dreg:$0xf]  }
0x46: {  	s0 =	sadd.s32 $0xFFFFD280, s21  }
0x47: {  	[hbm4b:s0+s3] =	stream.linear.scatter [tilespmem:s2], [sflag:$0xD], $0x4000, $0x38;
	[tilespmem:$0x1B000] =	vst v63  }
0x48: {  	_ =	swait.ge [sflag:s7], $0x4000  }
0x49: {  	[sflag:s7] =	ssyncset.done $0x0  }
0x4a: {  	s0 =	simm.s32 $0x200;
	[sflag:s7] =	ssyncadd.s32 $0xFFFFC000  }
0x4b: {  	[tilespmem:s23], [sflag:$0x1] =	stream.indirect.gather [hbm4b:s1+s20], $0x80, s0, s20, $0xb8;
	[tilespmem:$0x1B000] =	vst v63  }
0x4c: {  	_ =	swait.ge [sflag:s8], $0x2400  }
0x4d: {  	[sflag:s8] =	ssyncset.done $0x0  }
0x4e: {  	s0 =	sadd.s32 $0xFFFFDA80, s21;
	[sflag:s8] =	ssyncadd.s32 $0xFFFFDC00  }
0x4f: {  	[hbm4b:s0+s3] =	stream.linear.scatter [tilespmem:s4], [sflag:$0xE], $0x2400, $0x38;
	[tilespmem:$0x1B000] =	vst v63  }
0x50: {  	_ =	swait.ge [sflag:s9], $0x2400  }
0x51: {  	[sflag:s9] =	ssyncset.done $0x0  }
0x52: {  	s0 =	simm.s32 $0x1200;
	[sflag:s9] =	ssyncadd.s32 $0xFFFFDC00  }
0x53: {  	[tilespmem:s24], [sflag:$0x2] =	stream.indirect.gather [hbm4b:s1+s22], $0x80, s0, s22, $0xb8;
	[tilespmem:$0x1B000] =	vst v63  }
0x54: {  	_ =	swait.ge [sflag:s10], $0x4000  }
0x55: {  	[sflag:s10] =	ssyncset.done $0x0  }
0x56: {  	s0 =	sadd.s32 $0xFFFFDF00, s21;
	[sflag:s10] =	ssyncadd.s32 $0xFFFFC000  }
0x57: {  	[hbm4b:s0+s3] =	stream.linear.scatter [tilespmem:s15], [sflag:$0xF], $0x4000, $0x38;
	[tilespmem:$0x1B000] =	vst v63  }
0x58: {  	_ =	swait.ge [sflag:s11], $0x4000  }
0x59: {  	[sflag:s11] =	ssyncset.done $0x0  }
0x5a: {  	s0 =	simm.s32 $0x280;
	[sflag:s11] =	ssyncadd.s32 $0xFFFFC000  }
0x5b: {  	[tilespmem:s26], [sflag:$0x3] =	stream.indirect.gather [hbm4b:s1+s20], $0x80, s0, s20, $0xb8;
	[tilespmem:$0x1B000] =	vst v63  }
0x5c: {  	_ =	swait.ge [sflag:s16], $0x2400  }
0x5d: {  	[sflag:s16] =	ssyncset.done $0x0  }
0x5e: {  	s0 =	sadd.s32 $0xFFFFE700, s21;
	[sflag:s16] =	ssyncadd.s32 $0xFFFFDC00  }
0x5f: {  	[hbm4b:s0+s3] =	stream.linear.scatter [tilespmem:s18], [sflag:$0x10], $0x2400, $0x38;
	[tilespmem:$0x1B000] =	vst v63  }
0x60: {  	_ =	swait.ge [sflag:s12], $0x2400  }
0x61: {  	[sflag:s12] =	ssyncset.done $0x0  }
0x62: {  	s18 =	simm.s32 $0x1280;
	[sflag:s12] =	ssyncadd.s32 $0xFFFFDC00  }
0x63: {  	[tilespmem:s30], [sflag:$0x4] =	stream.indirect.gather [hbm4b:s1+s22], $0x80, s18, s22, $0xb8;
	[tilespmem:$0x1B000] =	vst v63  }
0x64: {  	_ =	swait.ge [sflag:s28], $0x4000  }
0x65: {  	[sflag:s28] =	ssyncset.done $0x0  }
0x66: {  	s0 =	sadd.s32 $0xFFFFEB80, s21;
	[sflag:s28] =	ssyncadd.s32 $0xFFFFC000  }
0x67: {  	[hbm4b:s0+s3] =	stream.linear.scatter [tilespmem:s23], [sflag:$0x9], $0x4000, $0x38;
	[tilespmem:$0x1B000] =	vst v63  }
0x68: {  	_ =	swait.ge [sflag:s17], $0x4000  }
0x69: {  	[sflag:s17] =	ssyncset.done $0x0  }
0x6a: {  	s18 =	simm.s32 $0x300;
	[sflag:s17] =	ssyncadd.s32 $0xFFFFC000  }
0x6b: {  	[tilespmem:s2], [sflag:$0x5] =	stream.indirect.gather [hbm4b:s1+s20], $0x80, s18, s20, $0xb8;
	[tilespmem:$0x1B000] =	vst v63  }
0x6c: {  	_ =	swait.ge [sflag:s25], $0x2400  }
0x6d: {  	[sflag:s25] =	ssyncset.done $0x0  }
0x6e: {  	s23 =	sadd.s32 $0xFFFFF380, s21;
	[sflag:s25] =	ssyncadd.s32 $0xFFFFDC00  }
0x6f: {  	[hbm4b:s23+s3] =	stream.linear.scatter [tilespmem:s24], [sflag:$0xA], $0x2400, $0x38;
	[tilespmem:$0x1B000] =	vst v63  }
0x70: {  	_ =	swait.ge [sflag:s13], $0x2400  }
0x71: {  	[sflag:s13] =	ssyncset.done $0x0  }
0x72: {  	s24 =	simm.s32 $0x1300;
	[sflag:s13] =	ssyncadd.s32 $0xFFFFDC00  }
0x73: {  	[tilespmem:s4], [sflag:$0x6] =	stream.indirect.gather [hbm4b:s1+s22], $0x80, s24, s22, $0xb8;
	[tilespmem:$0x1B000] =	vst v63  }
0x74: {  	_ =	swait.ge [sflag:s29], $0x4000  }
0x75: {  	[sflag:s29] =	ssyncset.done $0x0  }
0x76: {  	s25 =	sadd.s32 $0xFFFFF800, s21;
	[sflag:s29] =	ssyncadd.s32 $0xFFFFC000  }
0x77: {  	[hbm4b:s25+s3] =	stream.linear.scatter [tilespmem:s26], [sflag:$0xB], $0x4000, $0x38;
	[tilespmem:$0x1B000] =	vst v63  }
0x78: {  	_ =	swait.ge [sflag:s19], $0x4000  }
0x79: {  	[sflag:s19] =	ssyncset.done $0x0  }
0x7a: {  	s28 =	simm.s32 $0x380;
	[sflag:s19] =	ssyncadd.s32 $0xFFFFC000  }
0x7b: {  	[tilespmem:s15], [sflag:$0x7] =	stream.indirect.gather [hbm4b:s1+s20], $0x80, s28, s20, $0xb8;
	[tilespmem:$0x1B000] =	vst v63  }
0x7c: {  	_ =	swait.ge [sflag:s5], $0x2400  }
0x7d: {  	[sflag:s5] =	ssyncset.done $0x0  }
0x7e: {  	[sflag:s5] =	ssyncadd.s32 $0xFFFFDC00  }
0x7f: {  	[hbm4b:s21+s3] =	stream.linear.scatter [tilespmem:s30], [sflag:$0xC], $0x2400, $0x38;
	[tilespmem:$0x1B000] =	vst v63  }
0x80: {  	s6 =	sadd.s32 $0x3200, s21;
	s18 =	simm.s32 $0x800;
	_ =	swait.ge [sflag:s14], $0x2400  }
0x81: {  	s29 =	simm.s32 $0x3;
	s25 =	simm.s32 $0x2;
	[sflag:s14] =	ssyncset.done $0x0  }
0x82: {  	s15 =	simm.s32 $0x1380;
	s5 =	simm.s32 $0x4;
	[sflag:s14] =	ssyncadd.s32 $0xFFFFDC00  }
.LBB2_2:
0x83: {  	s0 =	simm.s32 $0x18C00  }
0x84: {  	[tilespmem:s0], [sflag:$0x8] =	stream.indirect.gather [hbm4b:s1+s22], $0x80, s15, s22, $0xb8;
	[tilespmem:$0x1B000] =	vst v63  }
0x85: {  	s2 =	simm.s32 $0x5;
	s15 =	smov.u32 s18  }
0x86: {  	p0 =	sne.s32 s18, $0x3000;
	s18 =	sadd.s32 $0x800, s18;
	_ =	swait.ge [sflag:s2], $0x4000  }
0x87: {  	[sflag:s2] =	ssyncset.done $0x0  }
0x88: {  	s21 =	sadd.s32 $0xFFFFD280, s6;
	[sflag:s2] =	ssyncadd.s32 $0xFFFFC000;
	s2 =	simm.s32 $0xE800  }
0x89: {  	[hbm4b:s21+s3] =	stream.linear.scatter [tilespmem:s2], [sflag:$0xD], $0x4000, $0x38;
	[tilespmem:$0x1B000] =	vst v63  }
0x8a: {  	_ =	swait.ge [sflag:s7], $0x4000  }
0x8b: {  	s15 =	sshra.s32 s15, $0x2;
	[sflag:s7] =	ssyncset.done $0x0  }
0x8c: {  	s24 =	simm.s32 $0x2000;
	s21 =	sadd.s32 $0x200, s15;
	[sflag:s7] =	ssyncadd.s32 $0xFFFFC000  }
0x8d: {  	[tilespmem:s24], [sflag:$0x1] =	stream.indirect.gather [hbm4b:s1+s20], $0x80, s21, s20, $0xb8;
	[tilespmem:$0x1B000] =	vst v63  }
0x8e: {  	_ =	swait.ge [sflag:s8], $0x2400  }
0x8f: {  	[sflag:s8] =	ssyncset.done $0x0  }
0x90: {  	s4 =	simm.s32 $0x12800;
	s21 =	sadd.s32 $0xFFFFDA80, s6;
	[sflag:s8] =	ssyncadd.s32 $0xFFFFDC00  }
0x91: {  	[hbm4b:s21+s3] =	stream.linear.scatter [tilespmem:s4], [sflag:$0xE], $0x2400, $0x38;
	[tilespmem:$0x1B000] =	vst v63  }
0x92: {  	_ =	swait.ge [sflag:s9], $0x2400  }
0x93: {  	[sflag:s9] =	ssyncset.done $0x0  }
0x94: {  	s26 =	simm.s32 $0x6000;
	s21 =	sadd.s32 $0x1200, s15;
	[sflag:s9] =	ssyncadd.s32 $0xFFFFDC00  }
0x95: {  	[tilespmem:s26], [sflag:$0x2] =	stream.indirect.gather [hbm4b:s1+s22], $0x80, s21, s22, $0xb8;
	[tilespmem:$0x1B000] =	vst v63  }
0x96: {  	_ =	swait.ge [sflag:s10], $0x4000  }
0x97: {  	[sflag:s10] =	ssyncset.done $0x0  }
0x98: {  	s23 =	simm.s32 $0x14C00;
	s21 =	sadd.s32 $0xFFFFDF00, s6;
	[sflag:s10] =	ssyncadd.s32 $0xFFFFC000  }
0x99: {  	[hbm4b:s21+s3] =	stream.linear.scatter [tilespmem:s23], [sflag:$0xF], $0x4000, $0x38;
	[tilespmem:$0x1B000] =	vst v63  }
0x9a: {  	_ =	swait.ge [sflag:s11], $0x4000  }
0x9b: {  	[sflag:s11] =	ssyncset.done $0x0  }
0x9c: {  	s30 =	simm.s32 $0x8400;
	s21 =	sadd.s32 $0x280, s15;
	[sflag:s11] =	ssyncadd.s32 $0xFFFFC000  }
0x9d: {  	[tilespmem:s30], [sflag:$0x3] =	stream.indirect.gather [hbm4b:s1+s20], $0x80, s21, s20, $0xb8;
	[tilespmem:$0x1B000] =	vst v63  }
0x9e: {  	_ =	swait.ge [sflag:s16], $0x2400  }
0x9f: {  	[sflag:s16] =	ssyncset.done $0x0  }
0xa0: {  	s21 =	sadd.s32 $0xFFFFE700, s6;
	[sflag:s16] =	ssyncadd.s32 $0xFFFFDC00  }
0xa1: {  	[hbm4b:s21+s3] =	stream.linear.scatter [tilespmem:s0], [sflag:$0x10], $0x2400, $0x38;
	[tilespmem:$0x1B000] =	vst v63  }
0xa2: {  	_ =	swait.ge [sflag:s12], $0x2400  }
0xa3: {  	[sflag:s12] =	ssyncset.done $0x0  }
0xa4: {  	s28 =	simm.s32 $0xC400;
	s21 =	sadd.s32 $0x1280, s15;
	[sflag:s12] =	ssyncadd.s32 $0xFFFFDC00  }
0xa5: {  	[tilespmem:s28], [sflag:$0x4] =	stream.indirect.gather [hbm4b:s1+s22], $0x80, s21, s22, $0xb8;
	[tilespmem:$0x1B000] =	vst v63  }
0xa6: {  	_ =	swait.ge [sflag:s31], $0x4000  }
0xa7: {  	[sflag:s31] =	ssyncset.done $0x0  }
0xa8: {  	s21 =	sadd.s32 $0xFFFFEB80, s6;
	[sflag:s31] =	ssyncadd.s32 $0xFFFFC000  }
0xa9: {  	[hbm4b:s21+s3] =	stream.linear.scatter [tilespmem:s24], [sflag:$0x9], $0x4000, $0x38;
	[tilespmem:$0x1B000] =	vst v63  }
0xaa: {  	_ =	swait.ge [sflag:s17], $0x4000  }
0xab: {  	[sflag:s17] =	ssyncset.done $0x0  }
0xac: {  	s0 =	simm.s32 $0xE800;
	s21 =	sadd.s32 $0x300, s15;
	[sflag:s17] =	ssyncadd.s32 $0xFFFFC000  }
0xad: {  	[tilespmem:s2], [sflag:$0x5] =	stream.indirect.gather [hbm4b:s1+s20], $0x80, s21, s20, $0xb8;
	[tilespmem:$0x1B000] =	vst v63  }
0xae: {  	_ =	swait.ge [sflag:s25], $0x2400  }
0xaf: {  	[sflag:s25] =	ssyncset.done $0x0  }
0xb0: {  	s21 =	sadd.s32 $0xFFFFF380, s6;
	[sflag:s25] =	ssyncadd.s32 $0xFFFFDC00  }
0xb1: {  	[hbm4b:s21+s3] =	stream.linear.scatter [tilespmem:s26], [sflag:$0xA], $0x2400, $0x38;
	[tilespmem:$0x1B000] =	vst v63  }
0xb2: {  	_ =	swait.ge [sflag:s13], $0x2400  }
0xb3: {  	[sflag:s13] =	ssyncset.done $0x0  }
0xb4: {  	s2 =	simm.s32 $0x12800;
	s21 =	sadd.s32 $0x1300, s15;
	[sflag:s13] =	ssyncadd.s32 $0xFFFFDC00  }
0xb5: {  	[tilespmem:s4], [sflag:$0x6] =	stream.indirect.gather [hbm4b:s1+s22], $0x80, s21, s22, $0xb8;
	[tilespmem:$0x1B000] =	vst v63  }
0xb6: {  	_ =	swait.ge [sflag:s29], $0x4000  }
0xb7: {  	[sflag:s29] =	ssyncset.done $0x0  }
0xb8: {  	s21 =	sadd.s32 $0xFFFFF800, s6;
	[sflag:s29] =	ssyncadd.s32 $0xFFFFC000  }
0xb9: {  	[hbm4b:s21+s3] =	stream.linear.scatter [tilespmem:s30], [sflag:$0xB], $0x4000, $0x38;
	[tilespmem:$0x1B000] =	vst v63  }
0xba: {  	_ =	swait.ge [sflag:s19], $0x4000  }
0xbb: {  	[sflag:s19] =	ssyncset.done $0x0  }
0xbc: {  	s4 =	simm.s32 $0x14C00;
	s21 =	sadd.s32 $0x380, s15;
	[sflag:s19] =	ssyncadd.s32 $0xFFFFC000  }
0xbd: {  	[tilespmem:s23], [sflag:$0x7] =	stream.indirect.gather [hbm4b:s1+s20], $0x80, s21, s20, $0xb8;
	[tilespmem:$0x1B000] =	vst v63  }
0xbe: {  	_ =	swait.ge [sflag:s5], $0x2400  }
0xbf: {  	[sflag:s5] =	ssyncset.done $0x0  }
.Ltmp0:
0xc0: {  	[sflag:s5] =	ssyncadd.s32 $0xFFFFDC00;
	(pc) =	sbr.rel @p0 .LBB2_2-.Ltmp0, $4  }
0xc1: {  	[hbm4b:s6+s3] =	stream.linear.scatter [tilespmem:s28], [sflag:$0xC], $0x2400, $0x38;
	[tilespmem:$0x1B000] =	vst v63  }
0xc2: {  	_ =	swait.ge [sflag:s14], $0x2400  }
0xc3: {  	[sflag:s14] =	ssyncset.done $0x0  }
0xc4: {  	s15 =	sadd.s32 $0x1380, s15;
	s6 =	sadd.s32 $0x3200, s6;
	[sflag:s14] =	ssyncadd.s32 $0xFFFFDC00  }
0xc5: {  	s18 =	simm.s32 $0x18C00;
	s5 =	simm.s32 $0x5  }
0xc6: {  	[tilespmem:s18], [sflag:$0x8] =	stream.indirect.gather [hbm4b:s1+s22], $0x80, s15, s22, $0xb8;
	[tilespmem:$0x1B000] =	vst v63  }
0xc7: {  	_ =	swait.ge [sflag:s5], $0x4000  }
0xc8: {  	[sflag:s5] =	ssyncset.done $0x0  }
0xc9: {  	s6 =	rddreg [dreg:$0xa];
	[sflag:s5] =	ssyncadd.s32 $0xFFFFC000  }
0xca: {  	[hbm4b:s6+s3] =	stream.linear.scatter [tilespmem:s0], [sflag:$0xD], $0x4000, $0x38;
	[tilespmem:$0x1B000] =	vst v63  }
0xcb: {  	_ =	swait.ge [sflag:s8], $0x2400  }
0xcc: {  	[sflag:s8] =	ssyncset.done $0x0  }
0xcd: {  	s23 =	rddreg [dreg:$0xb];
	[sflag:s8] =	ssyncadd.s32 $0xFFFFDC00  }
0xce: {  	[hbm4b:s23+s3] =	stream.linear.scatter [tilespmem:s2], [sflag:$0xE], $0x2400, $0x38;
	[tilespmem:$0x1B000] =	vst v63  }
0xcf: {  	_ =	swait.ge [sflag:s10], $0x4000  }
0xd0: {  	[sflag:s10] =	ssyncset.done $0x0  }
0xd1: {  	s24 =	rddreg [dreg:$0xc];
	[sflag:s10] =	ssyncadd.s32 $0xFFFFC000  }
0xd2: {  	[hbm4b:s24+s3] =	stream.linear.scatter [tilespmem:s4], [sflag:$0xF], $0x4000, $0x38;
	[tilespmem:$0x1B000] =	vst v63  }
0xd3: {  	_ =	swait.ge [sflag:s16], $0x2400  }
0xd4: {  	[sflag:s16] =	ssyncset.done $0x0  }
0xd5: {  	s25 =	rddreg [dreg:$0xd];
	[sflag:s16] =	ssyncadd.s32 $0xFFFFDC00  }
0xd6: {  	[hbm4b:s25+s3] =	stream.linear.scatter [tilespmem:s18], [sflag:$0x10], $0x2400, $0x38;
	[tilespmem:$0x1B000] =	vst v63  }
0xd7: {  	_ =	swait.ge [sflag:s7], $0x4000  }
0xd8: {  	[sflag:s7] =	ssyncset.done $0x0  }
0xd9: {  	[sflag:s7] =	ssyncadd.s32 $0xFFFFC000  }
0xda: {  	_ =	swait.ge [sflag:s9], $0x2400  }
0xdb: {  	[sflag:s9] =	ssyncset.done $0x0  }
0xdc: {  	[sflag:s9] =	ssyncadd.s32 $0xFFFFDC00  }
0xdd: {  	_ =	swait.ge [sflag:s11], $0x4000  }
0xde: {  	[sflag:s11] =	ssyncset.done $0x0  }
0xdf: {  	[sflag:s11] =	ssyncadd.s32 $0xFFFFC000  }
0xe0: {  	_ =	swait.ge [sflag:s12], $0x2400  }
0xe1: {  	[sflag:s12] =	ssyncset.done $0x0  }
0xe2: {  	[sflag:s12] =	ssyncadd.s32 $0xFFFFDC00  }
0xe3: {  	_ =	swait.ge [sflag:s17], $0x4000  }
0xe4: {  	[sflag:s17] =	ssyncset.done $0x0  }
0xe5: {  	[sflag:s17] =	ssyncadd.s32 $0xFFFFC000  }
0xe6: {  	_ =	swait.ge [sflag:s13], $0x2400  }
0xe7: {  	[sflag:s13] =	ssyncset.done $0x0  }
0xe8: {  	[sflag:s13] =	ssyncadd.s32 $0xFFFFDC00  }
0xe9: {  	_ =	swait.ge [sflag:s19], $0x4000  }
0xea: {  	[sflag:s19] =	ssyncset.done $0x0  }
0xeb: {  	[sflag:s19] =	ssyncadd.s32 $0xFFFFC000  }
0xec: {  	_ =	swait.ge [sflag:s14], $0x2400  }
0xed: {  	s26 =	rddreg [dreg:$0x10]  }
0xee: {  	s30 =	rddreg [dreg:$0xe];
	s0 =	sadd.s32 $0x1, s26  }
0xef: {  	p0 =	sne.s32 s0, s30  }
.Ltmp1:
0xf0: {  	_ = 	snop;
	(pc) =	sbr.rel @p0 .LBB2_1-.Ltmp1, $3  }
0xf1: {  	_ =	sdelay $0x1  }
0xf2: {  	s28 =	simm.s32 $0x1;
	s29 =	simm.s32 $0x3;
	[sflag:s14] =	ssyncset.done $0x0  }
0xf3: {  	s5 =	simm.s32 $0x4;
	s25 =	simm.s32 $0x2;
	[sflag:s14] =	ssyncadd.s32 $0xFFFFDC00  }
0xf4: {  	_ =	sfence.sel $0x180000  }
0xf5: {  	[bflag:$0x0] =	sbarrier.arrive $0xFFFF  }
0xf6: {  	_ =	strace $0x90000047  }
0xf7: {  	s0 =	stileid.u32;
	[bflag:$0x2] =	sbarrier.arrive $0xFFFF  }
0xf8: {  	p0 =	sne.s32 s0, $0x0;
	s0 =	rddreg [dreg:$0x3]  }
0xf9: {  	s0 =	sadd.s32 @!p0 $0x100000, s0  }
0xfa: {  	[sflag:s0] =	ssyncadd.tile.s32 @!p0 $0x1;
	_ =	shalt  }
.Lfunc_end2:
_tile_overlayer_lowered:
.L_overlay_start_2:
0xfb: {  	(tag) =	ssettag $0x2  }
0xfc: {  	s0 =	rddreg [dreg:$0x0];
	s2 =	stileid.u32  }
0xfd: {  	s1 =	rddreg [dreg:$0x1];
	p0 =	sne.s32 s2, $0x0  }
0xfe: {  	s3 =	rddreg [dreg:$0x2];
	[bflag:$0x3] =	sbarrier.arrive $0xFFFF;
	s2 =	simm.s32 @!p0 $0x1C11  }
0xff: {  	[timem:s3], [sflag:s2] =	dma.local @!p0 [hbm:s0], s1  }
0x100: {  	s0 =	simm.s32 @!p0 $0x11  }
0x101: {  	_ =	swait.ge @!p0 [sflag:s0], s1  }
0x102: {  	s1 =	ssub.s32 @!p0 $0x0, s1;
	[sflag:s0] =	ssyncset.done @!p0 $0x0  }
0x103: {  	[sflag:s0] =	ssyncadd.s32 @!p0 s1  }
0x104: {  	[bflag:$0x3] =	sbarrier.arrive $0xFFFF  }
0x105: {  	_ =	shalt  }

</sc_bundles>
